<compile_context>
chip_gen: v7x
topology: tpu7x:2x2x1
jax: 0.10.2.dev20260603
libtpu: 0.0.44.dev20260713+nightly
codegen_flags: <defaults>
</compile_context>

<pallas_src>
import functools

import jax
import jax.numpy as jnp
from jax import lax
from jax.experimental import pallas as pl
from jax.experimental.pallas import tpu as pltpu
from jax.experimental.pallas import tpu_sc as plsc

B, D, K = 1024, 1000, 16
DP = 1008
NC, NS, L = 2, 16, 16
NW = NC * NS
ROWS_PER_W = B // NW
GROUPS = ROWS_PER_W // L

_mesh = plsc.VectorSubcoreMesh(
    core_axis_name="c", subcore_axis_name="s", num_cores=NC, num_subcores=NS)


@functools.partial(
    pl.kernel,
    out_type=jax.ShapeDtypeStruct((B, DP), jnp.float32),
    mesh=_mesh,
    scratch_types=[
        pltpu.VMEM((L, D), jnp.float32),
        pltpu.VMEM((L, D), jnp.float32),
        pltpu.VMEM((L, DP), jnp.float32),
        pltpu.VMEM((L, DP), jnp.float32),
        pltpu.SemaphoreType.DMA,
        pltpu.SemaphoreType.DMA,
    ],
    compiler_params=pltpu.CompilerParams(
        needs_layout_passes=False, use_tc_tiling_on_sc=True),
)
def _sc_histogram(inputs_hbm, c_hbm, blk0, blk1, h0, h1, sem0, sem1):
    wid = lax.axis_index("s") * NC + lax.axis_index("c")
    lanes = lax.iota(jnp.int32, L)
    ones = jnp.ones((L,), jnp.float32)
    zeros16 = jnp.zeros((L,), jnp.float32)
    row0 = wid * ROWS_PER_W
    row1 = row0 + L

    cp0 = pltpu.async_copy(inputs_hbm.at[pl.ds(row0, L)], blk0, sem0)
    cp1 = pltpu.async_copy(inputs_hbm.at[pl.ds(row1, L)], blk1, sem1)

    @plsc.parallel_loop(0, DP // L, step=1)
    def _zero(i):
        off = i * L
        for l in range(L):
            h0[l, pl.ds(off, L)] = zeros16
            h1[l, pl.ds(off, L)] = zeros16

    cp0.wait()
    cp1.wait()

    @plsc.parallel_loop(0, D, step=1, unroll=8,
                        carry=lanes)
    def _scatter(d, dvec):
        iv0 = plsc.load_gather(blk0, [lanes, dvec])
        iv1 = plsc.load_gather(blk1, [lanes, dvec])
        plsc.addupdate_scatter(h0, [lanes, iv0.astype(jnp.int32)], ones)
        plsc.addupdate_scatter(h1, [lanes, iv1.astype(jnp.int32)], ones)
        nd = dvec + 1
        return jnp.where(nd >= D, nd - D, nd)

    wb0 = pltpu.async_copy(h0, c_hbm.at[pl.ds(row0, L)], sem0)
    wb1 = pltpu.async_copy(h1, c_hbm.at[pl.ds(row1, L)], sem1)
    wb0.wait()
    wb1.wait()


BLK = 512


def _tc_logits0(x_ref, w_ref, o_ref):
    o_ref[...] = jnp.dot(x_ref[...], w_ref[...],
                         preferred_element_type=jnp.float32)


def _tc_fm(c_ref, vp_ref, l0_ref, o_ref):
    vp = vp_ref[...]
    r = jnp.sum(vp * vp, axis=1, keepdims=True)
    c = c_ref[...]
    s = jnp.dot(c, vp, preferred_element_type=jnp.float32)
    t1 = jnp.dot(c, r, preferred_element_type=jnp.float32)
    res = l0_ref[...] + 0.5 * (
        jnp.sum(s * s, axis=1, keepdims=True) - t1)
    o_ref[...] = jnp.sum(res, axis=1)


@jax.jit
def kernel(inputs, w, v):
    l0 = pl.pallas_call(
        _tc_logits0,
        grid=(B // BLK,),
        in_specs=[
            pl.BlockSpec((BLK, D), lambda i: (i, 0)),
            pl.BlockSpec((D, 1), lambda i: (0, 0)),
        ],
        out_specs=pl.BlockSpec((BLK, 1), lambda i: (i, 0)),
        out_shape=jax.ShapeDtypeStruct((B, 1), jnp.float32),
    )(inputs, w)
    c = _sc_histogram(inputs)
    v_pad = jnp.pad(v, ((0, DP - D), (0, 0)))
    out = pl.pallas_call(
        _tc_fm,
        grid=(B // BLK,),
        in_specs=[
            pl.BlockSpec((BLK, DP), lambda i: (i, 0)),
            pl.BlockSpec((DP, K), lambda i: (0, 0)),
            pl.BlockSpec((BLK, 1), lambda i: (i, 0)),
        ],
        out_specs=pl.BlockSpec((BLK,), lambda i: (i,)),
        out_shape=jax.ShapeDtypeStruct((B,), jnp.float32),
    )(c, v_pad, l0)
    return out

# --- scband reference (transcript-rebuilt; emitter-appended) ---
"""Pipeline reference for scband-fm-30605936951318 (READ-ONLY COPY).

The authoritative reference and input builder live on the scoring server;
editing this copy changes nothing except your own understanding.
"""

import jax, jax.numpy as jnp
import numpy as np

B = 1024
D = 1000  # total one-hot dimension (sum of feature column shapes)
K = 16


def setup_inputs(seed: int = 0) -> dict:
    key = jax.random.key(seed)
    k1, k2, k3 = jax.random.split(key, 3)
    # inputs: float tensor whose values are valid row indices (Keras Embedding casts to int)
    inputs = jax.random.randint(k1, (B, D), 0, D).astype(jnp.float32)
    # w: tf.random.normal shape (D, 1)
    w = jax.random.normal(k2, (D, 1), dtype=jnp.float32)
    # v: Embedding table (D, K) with GlorotUniform init
    limit = np.sqrt(6.0 / (D + K)).astype(np.float32)
    v = jax.random.uniform(k3, (D, K), dtype=jnp.float32, minval=-limit, maxval=limit)
    return {"inputs": inputs, "w": w, "v": v}


def reference(inputs, w, v):
    # first-order term: logits = squeeze(inputs @ w)
    logits = jnp.squeeze(jnp.matmul(inputs, w), axis=-1)  # [B]
    # Keras Embedding casts inputs to integer indices, then gathers rows
    idx = inputs.astype(jnp.int32)  # [B, D]
    emb = jnp.take(v, idx, axis=0)  # [B, D, K]
    square_of_sum = jnp.square(jnp.sum(emb, axis=1))  # [B, K]
    sum_of_square = jnp.sum(jnp.square(emb), axis=1)  # [B, K]
    logits = logits + 0.5 * jnp.sum(square_of_sum - sum_of_square, axis=1)  # [B]
    return logits

if __name__ == "__main__":
    import jax
    _d = setup_inputs()
    print(jax.jit(kernel)(*tuple(_d.values())))

</pallas_src>

<mosaic_0001>
#map = affine_map<(d0, d1) -> (0, 0)>
module attributes {stable_mosaic.version = 14 : i64} {
  func.func @_sc_histogram(%arg0: i32, %arg1: i32, %arg2: memref<1024x1000xf32, #tpu.memory_space<hbm>>, %arg3: memref<1024x1008xf32, #tpu.memory_space<hbm>>, %arg4: memref<16x1000xf32, #tpu.memory_space<vmem>>, %arg5: memref<16x1000xf32, #tpu.memory_space<vmem>>, %arg6: memref<16x1008xf32, #tpu.memory_space<vmem>>, %arg7: memref<16x1008xf32, #tpu.memory_space<vmem>>, %arg8: memref<!tpu.dma_semaphore, #tpu.memory_space<semaphore_mem>>, %arg9: memref<!tpu.dma_semaphore, #tpu.memory_space<semaphore_mem>>) attributes {dimension_semantics = [#tpu.dimension_semantics<core_parallel>, #tpu.dimension_semantics<subcore_parallel>], iteration_bounds = array<i64: 2, 16>, scalar_prefetch = 0 : i64, scratch_operands = 6 : i64, tpu.core_type = #tpu.core_type<sc_vector_subcore>, window_params = [{transform_indices = #map}, {transform_indices = #map}]} {
    %mul3A = arith.constant 2 : i32
    %mul3A_0 = arith.muli %arg1, %mul3A : i32
    %add3A = arith.addi %mul3A_0, %arg0 : i32
    %iota3A = tpu.iota {dimensions = array<i32: 0>} : vector<16xi32>
    %broadcast_in_dim3A = arith.constant 1.000000e+00 : f32
    %broadcast_in_dim3A_1 = vector.broadcast %broadcast_in_dim3A : f32 to vector<16xf32>
    %broadcast_in_dim3A_2 = arith.constant 0.000000e+00 : f32
    %broadcast_in_dim3A_3 = vector.broadcast %broadcast_in_dim3A_2 : f32 to vector<16xf32>
    %mul3A_4 = arith.constant 32 : i32
    %mul3A_5 = arith.muli %add3A, %mul3A_4 : i32
    %add3A_6 = arith.constant 16 : i32
    %add3A_7 = arith.addi %mul3A_5, %add3A_6 : i32
    %dma_start3A = arith.constant 0 : i32
    %dma_start3A_8 = tpu.memref_slice %arg2[%mul3A_5, %dma_start3A] : memref<1024x1000xf32, #tpu.memory_space<hbm>> -> memref<16x1000xf32, #tpu.memory_space<hbm>>
    %dma_start3A_9 = arith.constant 0 : i32
    %dma_start3A_10 = tpu.memref_slice %arg2[%mul3A_5, %dma_start3A_9] : memref<1024x1000xf32, #tpu.memory_space<hbm>> -> memref<16x1000xf32, #tpu.memory_space<hbm>>
    tpu.enqueue_dma source(%dma_start3A_10 : memref<16x1000xf32, #tpu.memory_space<hbm>>) target(%arg4 : memref<16x1000xf32, #tpu.memory_space<vmem>>) target_semaphore(%arg8 : memref<!tpu.dma_semaphore, #tpu.memory_space<semaphore_mem>>)
    %dma_start3A_11 = arith.constant 0 : i32
    %dma_start3A_12 = tpu.memref_slice %arg2[%add3A_7, %dma_start3A_11] : memref<1024x1000xf32, #tpu.memory_space<hbm>> -> memref<16x1000xf32, #tpu.memory_space<hbm>>
    %dma_start3A_13 = arith.constant 0 : i32
    %dma_start3A_14 = tpu.memref_slice %arg2[%add3A_7, %dma_start3A_13] : memref<1024x1000xf32, #tpu.memory_space<hbm>> -> memref<16x1000xf32, #tpu.memory_space<hbm>>
    tpu.enqueue_dma source(%dma_start3A_14 : memref<16x1000xf32, #tpu.memory_space<hbm>>) target(%arg5 : memref<16x1000xf32, #tpu.memory_space<vmem>>) target_semaphore(%arg9 : memref<!tpu.dma_semaphore, #tpu.memory_space<semaphore_mem>>)
    %parallel_loop3A = arith.constant 0 : i32
    %parallel_loop3A_15 = arith.constant 63 : i32
    %parallel_loop3A_16 = arith.constant 1 : i32
    scf.for %parallel_loop3A_44 = %parallel_loop3A to %parallel_loop3A_15 step %parallel_loop3A_16  : i32 {
      %parallel_loop3A_45 = arith.constant 16 : i32
      %parallel_loop3A_46 = arith.muli %parallel_loop3A_44, %parallel_loop3A_45 : i32
      %parallel_loop3A_47 = arith.constant 0 : i32
      %parallel_loop3A_48 = arith.index_cast %parallel_loop3A_47 : i32 to index
      %parallel_loop3A_49 = arith.index_cast %parallel_loop3A_46 : i32 to index
      %parallel_loop3A_50 = tpu.vector_load %arg6[%parallel_loop3A_48, %parallel_loop3A_49] {strides = array<i32>} : memref<16x1008xf32, #tpu.memory_space<vmem>>, vector<16xf32>,
      tpu.vector_store %arg6[%parallel_loop3A_48, %parallel_loop3A_49], %broadcast_in_dim3A_3 {strides = array<i32>} : memref<16x1008xf32, #tpu.memory_space<vmem>>, vector<16xf32>,
      %parallel_loop3A_51 = arith.constant 0 : i32
      %parallel_loop3A_52 = arith.index_cast %parallel_loop3A_51 : i32 to index
      %parallel_loop3A_53 = arith.index_cast %parallel_loop3A_46 : i32 to index
      %parallel_loop3A_54 = tpu.vector_load %arg7[%parallel_loop3A_52, %parallel_loop3A_53] {strides = array<i32>} : memref<16x1008xf32, #tpu.memory_space<vmem>>, vector<16xf32>,
      tpu.vector_store %arg7[%parallel_loop3A_52, %parallel_loop3A_53], %broadcast_in_dim3A_3 {strides = array<i32>} : memref<16x1008xf32, #tpu.memory_space<vmem>>, vector<16xf32>,
      %parallel_loop3A_55 = arith.constant 1 : i32
      %parallel_loop3A_56 = arith.index_cast %parallel_loop3A_55 : i32 to index
      %parallel_loop3A_57 = arith.index_cast %parallel_loop3A_46 : i32 to index
      %parallel_loop3A_58 = tpu.vector_load %arg6[%parallel_loop3A_56, %parallel_loop3A_57] {strides = array<i32>} : memref<16x1008xf32, #tpu.memory_space<vmem>>, vector<16xf32>,
      tpu.vector_store %arg6[%parallel_loop3A_56, %parallel_loop3A_57], %broadcast_in_dim3A_3 {strides = array<i32>} : memref<16x1008xf32, #tpu.memory_space<vmem>>, vector<16xf32>,
      %parallel_loop3A_59 = arith.constant 1 : i32
      %parallel_loop3A_60 = arith.index_cast %parallel_loop3A_59 : i32 to index
      %parallel_loop3A_61 = arith.index_cast %parallel_loop3A_46 : i32 to index
      %parallel_loop3A_62 = tpu.vector_load %arg7[%parallel_loop3A_60, %parallel_loop3A_61] {strides = array<i32>} : memref<16x1008xf32, #tpu.memory_space<vmem>>, vector<16xf32>,
      tpu.vector_store %arg7[%parallel_loop3A_60, %parallel_loop3A_61], %broadcast_in_dim3A_3 {strides = array<i32>} : memref<16x1008xf32, #tpu.memory_space<vmem>>, vector<16xf32>,
      %parallel_loop3A_63 = arith.constant 2 : i32
      %parallel_loop3A_64 = arith.index_cast %parallel_loop3A_63 : i32 to index
      %parallel_loop3A_65 = arith.index_cast %parallel_loop3A_46 : i32 to index
      %parallel_loop3A_66 = tpu.vector_load %arg6[%parallel_loop3A_64, %parallel_loop3A_65] {strides = array<i32>} : memref<16x1008xf32, #tpu.memory_space<vmem>>, vector<16xf32>,
      tpu.vector_store %arg6[%parallel_loop3A_64, %parallel_loop3A_65], %broadcast_in_dim3A_3 {strides = array<i32>} : memref<16x1008xf32, #tpu.memory_space<vmem>>, vector<16xf32>,
      %parallel_loop3A_67 = arith.constant 2 : i32
      %parallel_loop3A_68 = arith.index_cast %parallel_loop3A_67 : i32 to index
      %parallel_loop3A_69 = arith.index_cast %parallel_loop3A_46 : i32 to index
      %parallel_loop3A_70 = tpu.vector_load %arg7[%parallel_loop3A_68, %parallel_loop3A_69] {strides = array<i32>} : memref<16x1008xf32, #tpu.memory_space<vmem>>, vector<16xf32>,
      tpu.vector_store %arg7[%parallel_loop3A_68, %parallel_loop3A_69], %broadcast_in_dim3A_3 {strides = array<i32>} : memref<16x1008xf32, #tpu.memory_space<vmem>>, vector<16xf32>,
      %parallel_loop3A_71 = arith.constant 3 : i32
      %parallel_loop3A_72 = arith.index_cast %parallel_loop3A_71 : i32 to index
      %parallel_loop3A_73 = arith.index_cast %parallel_loop3A_46 : i32 to index
      %parallel_loop3A_74 = tpu.vector_load %arg6[%parallel_loop3A_72, %parallel_loop3A_73] {strides = array<i32>} : memref<16x1008xf32, #tpu.memory_space<vmem>>, vector<16xf32>,
      tpu.vector_store %arg6[%parallel_loop3A_72, %parallel_loop3A_73], %broadcast_in_dim3A_3 {strides = array<i32>} : memref<16x1008xf32, #tpu.memory_space<vmem>>, vector<16xf32>,
      %parallel_loop3A_75 = arith.constant 3 : i32
      %parallel_loop3A_76 = arith.index_cast %parallel_loop3A_75 : i32 to index
      %parallel_loop3A_77 = arith.index_cast %parallel_loop3A_46 : i32 to index
      %parallel_loop3A_78 = tpu.vector_load %arg7[%parallel_loop3A_76, %parallel_loop3A_77] {strides = array<i32>} : memref<16x1008xf32, #tpu.memory_space<vmem>>, vector<16xf32>,
      tpu.vector_store %arg7[%parallel_loop3A_76, %parallel_loop3A_77], %broadcast_in_dim3A_3 {strides = array<i32>} : memref<16x1008xf32, #tpu.memory_space<vmem>>, vector<16xf32>,
      %parallel_loop3A_79 = arith.constant 4 : i32
      %parallel_loop3A_80 = arith.index_cast %parallel_loop3A_79 : i32 to index
      %parallel_loop3A_81 = arith.index_cast %parallel_loop3A_46 : i32 to index
      %parallel_loop3A_82 = tpu.vector_load %arg6[%parallel_loop3A_80, %parallel_loop3A_81] {strides = array<i32>} : memref<16x1008xf32, #tpu.memory_space<vmem>>, vector<16xf32>,
      tpu.vector_store %arg6[%parallel_loop3A_80, %parallel_loop3A_81], %broadcast_in_dim3A_3 {strides = array<i32>} : memref<16x1008xf32, #tpu.memory_space<vmem>>, vector<16xf32>,
      %parallel_loop3A_83 = arith.constant 4 : i32
      %parallel_loop3A_84 = arith.index_cast %parallel_loop3A_83 : i32 to index
      %parallel_loop3A_85 = arith.index_cast %parallel_loop3A_46 : i32 to index
      %parallel_loop3A_86 = tpu.vector_load %arg7[%parallel_loop3A_84, %parallel_loop3A_85] {strides = array<i32>} : memref<16x1008xf32, #tpu.memory_space<vmem>>, vector<16xf32>,
      tpu.vector_store %arg7[%parallel_loop3A_84, %parallel_loop3A_85], %broadcast_in_dim3A_3 {strides = array<i32>} : memref<16x1008xf32, #tpu.memory_space<vmem>>, vector<16xf32>,
      %parallel_loop3A_87 = arith.constant 5 : i32
      %parallel_loop3A_88 = arith.index_cast %parallel_loop3A_87 : i32 to index
      %parallel_loop3A_89 = arith.index_cast %parallel_loop3A_46 : i32 to index
      %parallel_loop3A_90 = tpu.vector_load %arg6[%parallel_loop3A_88, %parallel_loop3A_89] {strides = array<i32>} : memref<16x1008xf32, #tpu.memory_space<vmem>>, vector<16xf32>,
      tpu.vector_store %arg6[%parallel_loop3A_88, %parallel_loop3A_89], %broadcast_in_dim3A_3 {strides = array<i32>} : memref<16x1008xf32, #tpu.memory_space<vmem>>, vector<16xf32>,
      %parallel_loop3A_91 = arith.constant 5 : i32
      %parallel_loop3A_92 = arith.index_cast %parallel_loop3A_91 : i32 to index
      %parallel_loop3A_93 = arith.index_cast %parallel_loop3A_46 : i32 to index
      %parallel_loop3A_94 = tpu.vector_load %arg7[%parallel_loop3A_92, %parallel_loop3A_93] {strides = array<i32>} : memref<16x1008xf32, #tpu.memory_space<vmem>>, vector<16xf32>,
      tpu.vector_store %arg7[%parallel_loop3A_92, %parallel_loop3A_93], %broadcast_in_dim3A_3 {strides = array<i32>} : memref<16x1008xf32, #tpu.memory_space<vmem>>, vector<16xf32>,
      %parallel_loop3A_95 = arith.constant 6 : i32
      %parallel_loop3A_96 = arith.index_cast %parallel_loop3A_95 : i32 to index
      %parallel_loop3A_97 = arith.index_cast %parallel_loop3A_46 : i32 to index
      %parallel_loop3A_98 = tpu.vector_load %arg6[%parallel_loop3A_96, %parallel_loop3A_97] {strides = array<i32>} : memref<16x1008xf32, #tpu.memory_space<vmem>>, vector<16xf32>,
      tpu.vector_store %arg6[%parallel_loop3A_96, %parallel_loop3A_97], %broadcast_in_dim3A_3 {strides = array<i32>} : memref<16x1008xf32, #tpu.memory_space<vmem>>, vector<16xf32>,
      %parallel_loop3A_99 = arith.constant 6 : i32
      %parallel_loop3A_100 = arith.index_cast %parallel_loop3A_99 : i32 to index
      %parallel_loop3A_101 = arith.index_cast %parallel_loop3A_46 : i32 to index
      %parallel_loop3A_102 = tpu.vector_load %arg7[%parallel_loop3A_100, %parallel_loop3A_101] {strides = array<i32>} : memref<16x1008xf32, #tpu.memory_space<vmem>>, vector<16xf32>,
      tpu.vector_store %arg7[%parallel_loop3A_100, %parallel_loop3A_101], %broadcast_in_dim3A_3 {strides = array<i32>} : memref<16x1008xf32, #tpu.memory_space<vmem>>, vector<16xf32>,
      %parallel_loop3A_103 = arith.constant 7 : i32
      %parallel_loop3A_104 = arith.index_cast %parallel_loop3A_103 : i32 to index
      %parallel_loop3A_105 = arith.index_cast %parallel_loop3A_46 : i32 to index
      %parallel_loop3A_106 = tpu.vector_load %arg6[%parallel_loop3A_104, %parallel_loop3A_105] {strides = array<i32>} : memref<16x1008xf32, #tpu.memory_space<vmem>>, vector<16xf32>,
      tpu.vector_store %arg6[%parallel_loop3A_104, %parallel_loop3A_105], %broadcast_in_dim3A_3 {strides = array<i32>} : memref<16x1008xf32, #tpu.memory_space<vmem>>, vector<16xf32>,
      %parallel_loop3A_107 = arith.constant 7 : i32
      %parallel_loop3A_108 = arith.index_cast %parallel_loop3A_107 : i32 to index
      %parallel_loop3A_109 = arith.index_cast %parallel_loop3A_46 : i32 to index
      %parallel_loop3A_110 = tpu.vector_load %arg7[%parallel_loop3A_108, %parallel_loop3A_109] {strides = array<i32>} : memref<16x1008xf32, #tpu.memory_space<vmem>>, vector<16xf32>,
      tpu.vector_store %arg7[%parallel_loop3A_108, %parallel_loop3A_109], %broadcast_in_dim3A_3 {strides = array<i32>} : memref<16x1008xf32, #tpu.memory_space<vmem>>, vector<16xf32>,
      %parallel_loop3A_111 = arith.constant 8 : i32
      %parallel_loop3A_112 = arith.index_cast %parallel_loop3A_111 : i32 to index
      %parallel_loop3A_113 = arith.index_cast %parallel_loop3A_46 : i32 to index
      %parallel_loop3A_114 = tpu.vector_load %arg6[%parallel_loop3A_112, %parallel_loop3A_113] {strides = array<i32>} : memref<16x1008xf32, #tpu.memory_space<vmem>>, vector<16xf32>,
      tpu.vector_store %arg6[%parallel_loop3A_112, %parallel_loop3A_113], %broadcast_in_dim3A_3 {strides = array<i32>} : memref<16x1008xf32, #tpu.memory_space<vmem>>, vector<16xf32>,
      %parallel_loop3A_115 = arith.constant 8 : i32
      %parallel_loop3A_116 = arith.index_cast %parallel_loop3A_115 : i32 to index
      %parallel_loop3A_117 = arith.index_cast %parallel_loop3A_46 : i32 to index
      %parallel_loop3A_118 = tpu.vector_load %arg7[%parallel_loop3A_116, %parallel_loop3A_117] {strides = array<i32>} : memref<16x1008xf32, #tpu.memory_space<vmem>>, vector<16xf32>,
      tpu.vector_store %arg7[%parallel_loop3A_116, %parallel_loop3A_117], %broadcast_in_dim3A_3 {strides = array<i32>} : memref<16x1008xf32, #tpu.memory_space<vmem>>, vector<16xf32>,
      %parallel_loop3A_119 = arith.constant 9 : i32
      %parallel_loop3A_120 = arith.index_cast %parallel_loop3A_119 : i32 to index
      %parallel_loop3A_121 = arith.index_cast %parallel_loop3A_46 : i32 to index
      %parallel_loop3A_122 = tpu.vector_load %arg6[%parallel_loop3A_120, %parallel_loop3A_121] {strides = array<i32>} : memref<16x1008xf32, #tpu.memory_space<vmem>>, vector<16xf32>,
      tpu.vector_store %arg6[%parallel_loop3A_120, %parallel_loop3A_121], %broadcast_in_dim3A_3 {strides = array<i32>} : memref<16x1008xf32, #tpu.memory_space<vmem>>, vector<16xf32>,
      %parallel_loop3A_123 = arith.constant 9 : i32
      %parallel_loop3A_124 = arith.index_cast %parallel_loop3A_123 : i32 to index
      %parallel_loop3A_125 = arith.index_cast %parallel_loop3A_46 : i32 to index
      %parallel_loop3A_126 = tpu.vector_load %arg7[%parallel_loop3A_124, %parallel_loop3A_125] {strides = array<i32>} : memref<16x1008xf32, #tpu.memory_space<vmem>>, vector<16xf32>,
      tpu.vector_store %arg7[%parallel_loop3A_124, %parallel_loop3A_125], %broadcast_in_dim3A_3 {strides = array<i32>} : memref<16x1008xf32, #tpu.memory_space<vmem>>, vector<16xf32>,
      %parallel_loop3A_127 = arith.constant 10 : i32
      %parallel_loop3A_128 = arith.index_cast %parallel_loop3A_127 : i32 to index
      %parallel_loop3A_129 = arith.index_cast %parallel_loop3A_46 : i32 to index
      %parallel_loop3A_130 = tpu.vector_load %arg6[%parallel_loop3A_128, %parallel_loop3A_129] {strides = array<i32>} : memref<16x1008xf32, #tpu.memory_space<vmem>>, vector<16xf32>,
      tpu.vector_store %arg6[%parallel_loop3A_128, %parallel_loop3A_129], %broadcast_in_dim3A_3 {strides = array<i32>} : memref<16x1008xf32, #tpu.memory_space<vmem>>, vector<16xf32>,
      %parallel_loop3A_131 = arith.constant 10 : i32
      %parallel_loop3A_132 = arith.index_cast %parallel_loop3A_131 : i32 to index
      %parallel_loop3A_133 = arith.index_cast %parallel_loop3A_46 : i32 to index
      %parallel_loop3A_134 = tpu.vector_load %arg7[%parallel_loop3A_132, %parallel_loop3A_133] {strides = array<i32>} : memref<16x1008xf32, #tpu.memory_space<vmem>>, vector<16xf32>,
      tpu.vector_store %arg7[%parallel_loop3A_132, %parallel_loop3A_133], %broadcast_in_dim3A_3 {strides = array<i32>} : memref<16x1008xf32, #tpu.memory_space<vmem>>, vector<16xf32>,
      %parallel_loop3A_135 = arith.constant 11 : i32
      %parallel_loop3A_136 = arith.index_cast %parallel_loop3A_135 : i32 to index
      %parallel_loop3A_137 = arith.index_cast %parallel_loop3A_46 : i32 to index
      %parallel_loop3A_138 = tpu.vector_load %arg6[%parallel_loop3A_136, %parallel_loop3A_137] {strides = array<i32>} : memref<16x1008xf32, #tpu.memory_space<vmem>>, vector<16xf32>,
      tpu.vector_store %arg6[%parallel_loop3A_136, %parallel_loop3A_137], %broadcast_in_dim3A_3 {strides = array<i32>} : memref<16x1008xf32, #tpu.memory_space<vmem>>, vector<16xf32>,
      %parallel_loop3A_139 = arith.constant 11 : i32
      %parallel_loop3A_140 = arith.index_cast %parallel_loop3A_139 : i32 to index
      %parallel_loop3A_141 = arith.index_cast %parallel_loop3A_46 : i32 to index
      %parallel_loop3A_142 = tpu.vector_load %arg7[%parallel_loop3A_140, %parallel_loop3A_141] {strides = array<i32>} : memref<16x1008xf32, #tpu.memory_space<vmem>>, vector<16xf32>,
      tpu.vector_store %arg7[%parallel_loop3A_140, %parallel_loop3A_141], %broadcast_in_dim3A_3 {strides = array<i32>} : memref<16x1008xf32, #tpu.memory_space<vmem>>, vector<16xf32>,
      %parallel_loop3A_143 = arith.constant 12 : i32
      %parallel_loop3A_144 = arith.index_cast %parallel_loop3A_143 : i32 to index
      %parallel_loop3A_145 = arith.index_cast %parallel_loop3A_46 : i32 to index
      %parallel_loop3A_146 = tpu.vector_load %arg6[%parallel_loop3A_144, %parallel_loop3A_145] {strides = array<i32>} : memref<16x1008xf32, #tpu.memory_space<vmem>>, vector<16xf32>,
      tpu.vector_store %arg6[%parallel_loop3A_144, %parallel_loop3A_145], %broadcast_in_dim3A_3 {strides = array<i32>} : memref<16x1008xf32, #tpu.memory_space<vmem>>, vector<16xf32>,
      %parallel_loop3A_147 = arith.constant 12 : i32
      %parallel_loop3A_148 = arith.index_cast %parallel_loop3A_147 : i32 to index
      %parallel_loop3A_149 = arith.index_cast %parallel_loop3A_46 : i32 to index
      %parallel_loop3A_150 = tpu.vector_load %arg7[%parallel_loop3A_148, %parallel_loop3A_149] {strides = array<i32>} : memref<16x1008xf32, #tpu.memory_space<vmem>>, vector<16xf32>,
      tpu.vector_store %arg7[%parallel_loop3A_148, %parallel_loop3A_149], %broadcast_in_dim3A_3 {strides = array<i32>} : memref<16x1008xf32, #tpu.memory_space<vmem>>, vector<16xf32>,
      %parallel_loop3A_151 = arith.constant 13 : i32
      %parallel_loop3A_152 = arith.index_cast %parallel_loop3A_151 : i32 to index
      %parallel_loop3A_153 = arith.index_cast %parallel_loop3A_46 : i32 to index
      %parallel_loop3A_154 = tpu.vector_load %arg6[%parallel_loop3A_152, %parallel_loop3A_153] {strides = array<i32>} : memref<16x1008xf32, #tpu.memory_space<vmem>>, vector<16xf32>,
      tpu.vector_store %arg6[%parallel_loop3A_152, %parallel_loop3A_153], %broadcast_in_dim3A_3 {strides = array<i32>} : memref<16x1008xf32, #tpu.memory_space<vmem>>, vector<16xf32>,
      %parallel_loop3A_155 = arith.constant 13 : i32
      %parallel_loop3A_156 = arith.index_cast %parallel_loop3A_155 : i32 to index
      %parallel_loop3A_157 = arith.index_cast %parallel_loop3A_46 : i32 to index
      %parallel_loop3A_158 = tpu.vector_load %arg7[%parallel_loop3A_156, %parallel_loop3A_157] {strides = array<i32>} : memref<16x1008xf32, #tpu.memory_space<vmem>>, vector<16xf32>,
      tpu.vector_store %arg7[%parallel_loop3A_156, %parallel_loop3A_157], %broadcast_in_dim3A_3 {strides = array<i32>} : memref<16x1008xf32, #tpu.memory_space<vmem>>, vector<16xf32>,
      %parallel_loop3A_159 = arith.constant 14 : i32
      %parallel_loop3A_160 = arith.index_cast %parallel_loop3A_159 : i32 to index
      %parallel_loop3A_161 = arith.index_cast %parallel_loop3A_46 : i32 to index
      %parallel_loop3A_162 = tpu.vector_load %arg6[%parallel_loop3A_160, %parallel_loop3A_161] {strides = array<i32>} : memref<16x1008xf32, #tpu.memory_space<vmem>>, vector<16xf32>,
      tpu.vector_store %arg6[%parallel_loop3A_160, %parallel_loop3A_161], %broadcast_in_dim3A_3 {strides = array<i32>} : memref<16x1008xf32, #tpu.memory_space<vmem>>, vector<16xf32>,
      %parallel_loop3A_163 = arith.constant 14 : i32
      %parallel_loop3A_164 = arith.index_cast %parallel_loop3A_163 : i32 to index
      %parallel_loop3A_165 = arith.index_cast %parallel_loop3A_46 : i32 to index
      %parallel_loop3A_166 = tpu.vector_load %arg7[%parallel_loop3A_164, %parallel_loop3A_165] {strides = array<i32>} : memref<16x1008xf32, #tpu.memory_space<vmem>>, vector<16xf32>,
      tpu.vector_store %arg7[%parallel_loop3A_164, %parallel_loop3A_165], %broadcast_in_dim3A_3 {strides = array<i32>} : memref<16x1008xf32, #tpu.memory_space<vmem>>, vector<16xf32>,
      %parallel_loop3A_167 = arith.constant 15 : i32
      %parallel_loop3A_168 = arith.index_cast %parallel_loop3A_167 : i32 to index
      %parallel_loop3A_169 = arith.index_cast %parallel_loop3A_46 : i32 to index
      %parallel_loop3A_170 = tpu.vector_load %arg6[%parallel_loop3A_168, %parallel_loop3A_169] {strides = array<i32>} : memref<16x1008xf32, #tpu.memory_space<vmem>>, vector<16xf32>,
      tpu.vector_store %arg6[%parallel_loop3A_168, %parallel_loop3A_169], %broadcast_in_dim3A_3 {strides = array<i32>} : memref<16x1008xf32, #tpu.memory_space<vmem>>, vector<16xf32>,
      %parallel_loop3A_171 = arith.constant 15 : i32
      %parallel_loop3A_172 = arith.index_cast %parallel_loop3A_171 : i32 to index
      %parallel_loop3A_173 = arith.index_cast %parallel_loop3A_46 : i32 to index
      %parallel_loop3A_174 = tpu.vector_load %arg7[%parallel_loop3A_172, %parallel_loop3A_173] {strides = array<i32>} : memref<16x1008xf32, #tpu.memory_space<vmem>>, vector<16xf32>,
      tpu.vector_store %arg7[%parallel_loop3A_172, %parallel_loop3A_173], %broadcast_in_dim3A_3 {strides = array<i32>} : memref<16x1008xf32, #tpu.memory_space<vmem>>, vector<16xf32>,
    } {sc.loop_unroll_factor = 1 : i64, sc.parallel_access}
    %dma_wait3A = arith.constant 0 : i32
    %dma_wait3A_17 = tpu.memref_slice %arg2[%mul3A_5, %dma_wait3A] : memref<1024x1000xf32, #tpu.memory_space<hbm>> -> memref<16x1000xf32, #tpu.memory_space<hbm>>
    %dma_wait3A_18 = arith.constant 0 : i32
    %dma_wait3A_19 = tpu.memref_slice %arg2[%mul3A_5, %dma_wait3A_18] : memref<1024x1000xf32, #tpu.memory_space<hbm>> -> memref<16x1000xf32, #tpu.memory_space<hbm>>
    tpu.wait_dma2 semaphore(%arg8 : memref<!tpu.dma_semaphore, #tpu.memory_space<semaphore_mem>>) src(%dma_wait3A_19 : memref<16x1000xf32, #tpu.memory_space<hbm>>) dst(%arg4 : memref<16x1000xf32, #tpu.memory_space<vmem>>)
    %dma_wait3A_20 = arith.constant 0 : i32
    %dma_wait3A_21 = tpu.memref_slice %arg2[%add3A_7, %dma_wait3A_20] : memref<1024x1000xf32, #tpu.memory_space<hbm>> -> memref<16x1000xf32, #tpu.memory_space<hbm>>
    %dma_wait3A_22 = arith.constant 0 : i32
    %dma_wait3A_23 = tpu.memref_slice %arg2[%add3A_7, %dma_wait3A_22] : memref<1024x1000xf32, #tpu.memory_space<hbm>> -> memref<16x1000xf32, #tpu.memory_space<hbm>>
    tpu.wait_dma2 semaphore(%arg9 : memref<!tpu.dma_semaphore, #tpu.memory_space<semaphore_mem>>) src(%dma_wait3A_23 : memref<16x1000xf32, #tpu.memory_space<hbm>>) dst(%arg5 : memref<16x1000xf32, #tpu.memory_space<vmem>>)
    %parallel_loop3A_24 = arith.constant 0 : i32
    %parallel_loop3A_25 = arith.constant 1000 : i32
    %parallel_loop3A_26 = arith.constant 1 : i32
    %parallel_loop3A_27 = scf.for %parallel_loop3A_44 = %parallel_loop3A_24 to %parallel_loop3A_25 step %parallel_loop3A_26 iter_args(%parallel_loop3A_45 = %iota3A) -> (vector<16xi32>)  : i32 {
      %parallel_loop3A_46 = tpu.vector_load_idx %arg4[%iota3A, %parallel_loop3A_45] : memref<16x1000xf32, #tpu.memory_space<vmem>>[vector<16xi32>, vector<16xi32>], vector<16xf32>,
      %parallel_loop3A_47 = tpu.vector_load_idx %arg5[%iota3A, %parallel_loop3A_45] : memref<16x1000xf32, #tpu.memory_space<vmem>>[vector<16xi32>, vector<16xi32>], vector<16xf32>,
      %parallel_loop3A_48 = arith.fptosi %parallel_loop3A_46 : vector<16xf32> to vector<16xi32>
      tpu.vector_store_idx %arg6[%iota3A, %parallel_loop3A_48], %broadcast_in_dim3A_1 {add = true} : memref<16x1008xf32, #tpu.memory_space<vmem>>[vector<16xi32>, vector<16xi32>], vector<16xf32>,
      %parallel_loop3A_49 = arith.fptosi %parallel_loop3A_47 : vector<16xf32> to vector<16xi32>
      tpu.vector_store_idx %arg7[%iota3A, %parallel_loop3A_49], %broadcast_in_dim3A_1 {add = true} : memref<16x1008xf32, #tpu.memory_space<vmem>>[vector<16xi32>, vector<16xi32>], vector<16xf32>,
      %parallel_loop3A_50 = arith.constant 1 : i32
      %parallel_loop3A_51 = vector.broadcast %parallel_loop3A_50 : i32 to vector<16xi32>
      %parallel_loop3A_52 = arith.addi %parallel_loop3A_45, %parallel_loop3A_51 : vector<16xi32>
      %parallel_loop3A_53 = arith.constant 1000 : i32
      %parallel_loop3A_54 = vector.broadcast %parallel_loop3A_53 : i32 to vector<16xi32>
      %parallel_loop3A_55 = arith.cmpi sge, %parallel_loop3A_52, %parallel_loop3A_54 : vector<16xi32>
      %parallel_loop3A_56 = arith.constant 1000 : i32
      %parallel_loop3A_57 = vector.broadcast %parallel_loop3A_56 : i32 to vector<16xi32>
      %parallel_loop3A_58 = arith.subi %parallel_loop3A_52, %parallel_loop3A_57 : vector<16xi32>
      %parallel_loop3A_59 = arith.select %parallel_loop3A_55, %parallel_loop3A_58, %parallel_loop3A_52 : vector<16xi1>, vector<16xi32>
      scf.yield %parallel_loop3A_59 : vector<16xi32>
    } {sc.loop_unroll_factor = 8 : i64, sc.parallel_access}
    %dma_start3A_28 = arith.constant 0 : i32
    %dma_start3A_29 = tpu.memref_slice %arg3[%mul3A_5, %dma_start3A_28] : memref<1024x1008xf32, #tpu.memory_space<hbm>> -> memref<16x1008xf32, #tpu.memory_space<hbm>>
    %dma_start3A_30 = arith.constant 0 : i32
    %dma_start3A_31 = tpu.memref_slice %arg3[%mul3A_5, %dma_start3A_30] : memref<1024x1008xf32, #tpu.memory_space<hbm>> -> memref<16x1008xf32, #tpu.memory_space<hbm>>
    tpu.enqueue_dma source(%arg6 : memref<16x1008xf32, #tpu.memory_space<vmem>>) target(%dma_start3A_31 : memref<16x1008xf32, #tpu.memory_space<hbm>>) target_semaphore(%arg8 : memref<!tpu.dma_semaphore, #tpu.memory_space<semaphore_mem>>)
    %dma_start3A_32 = arith.constant 0 : i32
    %dma_start3A_33 = tpu.memref_slice %arg3[%add3A_7, %dma_start3A_32] : memref<1024x1008xf32, #tpu.memory_space<hbm>> -> memref<16x1008xf32, #tpu.memory_space<hbm>>
    %dma_start3A_34 = arith.constant 0 : i32
    %dma_start3A_35 = tpu.memref_slice %arg3[%add3A_7, %dma_start3A_34] : memref<1024x1008xf32, #tpu.memory_space<hbm>> -> memref<16x1008xf32, #tpu.memory_space<hbm>>
    tpu.enqueue_dma source(%arg7 : memref<16x1008xf32, #tpu.memory_space<vmem>>) target(%dma_start3A_35 : memref<16x1008xf32, #tpu.memory_space<hbm>>) target_semaphore(%arg9 : memref<!tpu.dma_semaphore, #tpu.memory_space<semaphore_mem>>)
    %dma_wait3A_36 = arith.constant 0 : i32
    %dma_wait3A_37 = tpu.memref_slice %arg3[%mul3A_5, %dma_wait3A_36] : memref<1024x1008xf32, #tpu.memory_space<hbm>> -> memref<16x1008xf32, #tpu.memory_space<hbm>>
    %dma_wait3A_38 = arith.constant 0 : i32
    %dma_wait3A_39 = tpu.memref_slice %arg3[%mul3A_5, %dma_wait3A_38] : memref<1024x1008xf32, #tpu.memory_space<hbm>> -> memref<16x1008xf32, #tpu.memory_space<hbm>>
    tpu.wait_dma2 semaphore(%arg8 : memref<!tpu.dma_semaphore, #tpu.memory_space<semaphore_mem>>) src(%arg6 : memref<16x1008xf32, #tpu.memory_space<vmem>>) dst(%dma_wait3A_39 : memref<16x1008xf32, #tpu.memory_space<hbm>>)
    %dma_wait3A_40 = arith.constant 0 : i32
    %dma_wait3A_41 = tpu.memref_slice %arg3[%add3A_7, %dma_wait3A_40] : memref<1024x1008xf32, #tpu.memory_space<hbm>> -> memref<16x1008xf32, #tpu.memory_space<hbm>>
    %dma_wait3A_42 = arith.constant 0 : i32
    %dma_wait3A_43 = tpu.memref_slice %arg3[%add3A_7, %dma_wait3A_42] : memref<1024x1008xf32, #tpu.memory_space<hbm>> -> memref<16x1008xf32, #tpu.memory_space<hbm>>
    tpu.wait_dma2 semaphore(%arg9 : memref<!tpu.dma_semaphore, #tpu.memory_space<semaphore_mem>>) src(%arg7 : memref<16x1008xf32, #tpu.memory_space<vmem>>) dst(%dma_wait3A_43 : memref<16x1008xf32, #tpu.memory_space<hbm>>)
    return
  }
}

module attributes {stable_mosaic.version = 14 : i64} {
  func.func @_tc_logits0(%arg0: i32, %arg1: memref<512x1000xf32, #tpu.memory_space<vmem>>, %arg2: memref<1000x1xf32, #tpu.memory_space<vmem>>, %arg3: memref<512x1xf32, #tpu.memory_space<vmem>>) attributes {dimension_semantics = [#tpu.dimension_semantics<arbitrary>], iteration_bounds = array<i64: 2>, scalar_prefetch = 0 : i64, scratch_operands = 0 : i64, tpu.core_type = #tpu.core_type<tc>, window_params = [{transform_indices = @transform_0, window_bounds = array<i64: 512, 1000>}, {pipeline_mode = #tpu.pipeline_mode<synchronous>, transform_indices = @transform_1, window_bounds = array<i64: 1000, 1>}, {transform_indices = @transform_2, window_bounds = array<i64: 512, 1>}]} {
    %get3A = arith.constant 0 : index
    %get3A_0 = arith.constant 0 : index
    %get3A_1 = vector.load %arg1[%get3A, %get3A_0] : memref<512x1000xf32, #tpu.memory_space<vmem>>, vector<512x1000xf32>
    %get3A_2 = arith.constant 0 : index
    %get3A_3 = arith.constant 0 : index
    %get3A_4 = vector.load %arg2[%get3A_2, %get3A_3] : memref<1000x1xf32, #tpu.memory_space<vmem>>, vector<1000x1xf32>
    %dot_general3A = arith.constant dense<0.000000e+00> : vector<512x1xf32>
    %dot_general3A_5 = tpu.matmul %get3A_1, %get3A_4, %dot_general3A {dimension_numbers = #tpu.dot_dimension_numbers<[1], [0], [0], [1], [0, 0, 1, 1], [], []>, transpose_lhs_hint = false} : vector<512x1000xf32>, vector<1000x1xf32>, vector<512x1xf32> -> vector<512x1xf32>
    %swap3A = arith.constant 0 : index
    %swap3A_6 = arith.constant 0 : index
    %swap3A_7 = vector.load %arg3[%swap3A, %swap3A_6] : memref<512x1xf32, #tpu.memory_space<vmem>>, vector<512x1xf32>
    tpu.vector_store %arg3[%swap3A, %swap3A_6], %dot_general3A_5 {strides = array<i32>} : memref<512x1xf32, #tpu.memory_space<vmem>>, vector<512x1xf32>,
    return
  }
  func.func @transform_0(%arg0: i32) -> (i32, i32) {
    %c0_i32 = arith.constant 0 : i32
    %c0_i32_0 = arith.constant 0 : i32
    return %arg0, %c0_i32 : i32, i32
  }
  func.func @transform_1(%arg0: i32) -> (i32, i32) {
    %c0_i32 = arith.constant 0 : i32
    %c0_i32_0 = arith.constant 0 : i32
    %c0_i32_1 = arith.constant 0 : i32
    return %c0_i32, %c0_i32_0 : i32, i32
  }
  func.func @transform_2(%arg0: i32) -> (i32, i32) {
    %c0_i32 = arith.constant 0 : i32
    %c0_i32_0 = arith.constant 0 : i32
    return %arg0, %c0_i32 : i32, i32
  }
}

module attributes {stable_mosaic.version = 14 : i64} {
  func.func @_tc_fm(%arg0: i32, %arg1: memref<512x1008xf32, #tpu.memory_space<vmem>>, %arg2: memref<1008x16xf32, #tpu.memory_space<vmem>>, %arg3: memref<512x1xf32, #tpu.memory_space<vmem>>, %arg4: memref<512xf32, #tpu.memory_space<vmem>>) attributes {dimension_semantics = [#tpu.dimension_semantics<arbitrary>], iteration_bounds = array<i64: 2>, scalar_prefetch = 0 : i64, scratch_operands = 0 : i64, tpu.core_type = #tpu.core_type<tc>, window_params = [{transform_indices = @transform_0, window_bounds = array<i64: 512, 1008>}, {pipeline_mode = #tpu.pipeline_mode<synchronous>, transform_indices = @transform_1, window_bounds = array<i64: 1008, 16>}, {transform_indices = @transform_2, window_bounds = array<i64: 512, 1>}, {transform_indices = @transform_3, window_bounds = array<i64: 512>}]} {
    %get3A = arith.constant 0 : index
    %get3A_0 = arith.constant 0 : index
    %get3A_1 = vector.load %arg2[%get3A, %get3A_0] : memref<1008x16xf32, #tpu.memory_space<vmem>>, vector<1008x16xf32>
    %mul3A = arith.mulf %get3A_1, %get3A_1 : vector<1008x16xf32>
    %reduce_sum3A = arith.constant dense<0.000000e+00> : vector<1008xf32>
    %reduce_sum3A_2 = vector.multi_reduction <add>, %mul3A, %reduce_sum3A [1] : vector<1008x16xf32> to vector<1008xf32>
    %broadcast_in_dim3A = vector.shape_cast %reduce_sum3A_2 : vector<1008xf32> to vector<1008x1xf32>
    %get3A_3 = arith.constant 0 : index
    %get3A_4 = arith.constant 0 : index
    %get3A_5 = vector.load %arg1[%get3A_3, %get3A_4] : memref<512x1008xf32, #tpu.memory_space<vmem>>, vector<512x1008xf32>
    %dot_general3A = arith.constant dense<0.000000e+00> : vector<512x16xf32>
    %dot_general3A_6 = tpu.matmul %get3A_5, %get3A_1, %dot_general3A {dimension_numbers = #tpu.dot_dimension_numbers<[1], [0], [0], [1], [0, 0, 1, 1], [], []>, transpose_lhs_hint = false} : vector<512x1008xf32>, vector<1008x16xf32>, vector<512x16xf32> -> vector<512x16xf32>
    %dot_general3A_7 = arith.constant dense<0.000000e+00> : vector<512x1xf32>
    %dot_general3A_8 = tpu.matmul %get3A_5, %broadcast_in_dim3A, %dot_general3A_7 {dimension_numbers = #tpu.dot_dimension_numbers<[1], [0], [0], [1], [0, 0, 1, 1], [], []>, transpose_lhs_hint = false} : vector<512x1008xf32>, vector<1008x1xf32>, vector<512x1xf32> -> vector<512x1xf32>
    %get3A_9 = arith.constant 0 : index
    %get3A_10 = arith.constant 0 : index
    %get3A_11 = vector.load %arg3[%get3A_9, %get3A_10] : memref<512x1xf32, #tpu.memory_space<vmem>>, vector<512x1xf32>
    %mul3A_12 = arith.mulf %dot_general3A_6, %dot_general3A_6 : vector<512x16xf32>
    %reduce_sum3A_13 = arith.constant dense<0.000000e+00> : vector<512xf32>
    %reduce_sum3A_14 = vector.multi_reduction <add>, %mul3A_12, %reduce_sum3A_13 [1] : vector<512x16xf32> to vector<512xf32>
    %broadcast_in_dim3A_15 = vector.shape_cast %reduce_sum3A_14 : vector<512xf32> to vector<512x1xf32>
    %sub3A = arith.subf %broadcast_in_dim3A_15, %dot_general3A_8 : vector<512x1xf32>
    %mul3A_16 = arith.constant 5.000000e-01 : f32
    %mul3A_17 = vector.broadcast %mul3A_16 : f32 to vector<512x1xf32>
    %mul3A_18 = arith.mulf %mul3A_17, %sub3A : vector<512x1xf32>
    %add3A = arith.addf %get3A_11, %mul3A_18 : vector<512x1xf32>
    %reduce_sum3A_19 = arith.constant dense<0.000000e+00> : vector<512xf32>
    %reduce_sum3A_20 = vector.multi_reduction <add>, %add3A, %reduce_sum3A_19 [1] : vector<512x1xf32> to vector<512xf32>
    %swap3A = arith.constant 0 : index
    %swap3A_21 = vector.load %arg4[%swap3A] : memref<512xf32, #tpu.memory_space<vmem>>, vector<512xf32>
    tpu.vector_store %arg4[%swap3A], %reduce_sum3A_20 {strides = array<i32>} : memref<512xf32, #tpu.memory_space<vmem>>, vector<512xf32>,
    return
  }
  func.func @transform_0(%arg0: i32) -> (i32, i32) {
    %c0_i32 = arith.constant 0 : i32
    %c0_i32_0 = arith.constant 0 : i32
    return %arg0, %c0_i32 : i32, i32
  }
  func.func @transform_1(%arg0: i32) -> (i32, i32) {
    %c0_i32 = arith.constant 0 : i32
    %c0_i32_0 = arith.constant 0 : i32
    %c0_i32_1 = arith.constant 0 : i32
    return %c0_i32, %c0_i32_0 : i32, i32
  }
  func.func @transform_2(%arg0: i32) -> (i32, i32) {
    %c0_i32 = arith.constant 0 : i32
    %c0_i32_0 = arith.constant 0 : i32
    return %arg0, %c0_i32 : i32, i32
  }
  func.func @transform_3(%arg0: i32) -> i32 {
    %c0_i32 = arith.constant 0 : i32
    return %arg0 : i32
  }
}

</mosaic_0001>

<sc_bundles>
// kernel: kernel.5.cloned.1.call-start
scs
__scs_entry_jumppad:
0x0: {  	(pc) =	sbr.rel $0x88, $3  }
0x1: {  	(tag) =	ssettag $0x0;
	lr =	simm.s32 $0x1  }
0x2: {  	[smem:$0x3F9E] =	sst lr;
	_ =	strace $0xD0000000  }
0x3: {  	_ = 	snop  }
0x4: {  	_ = 	snop  }
0x5: {  	_ = 	snop  }
0x6: {  	_ = 	snop  }
0x7: {  	_ = 	snop  }
__scs_overlays_trampoline_lowered:
0x8: {  	[smem:$0x3FAD] =	sst s0  }
0x9: {  	[smem:$0x3FAE] =	sst s1  }
0xa: {  	[smem:$0x3FAF] =	sst s2  }
0xb: {  	[smem:$0x3FB0] =	sst s3  }
0xc: {  	[smem:$0x3FB1] =	sst s4  }
0xd: {  	[smem:$0x3FB2] =	sst s5  }
0xe: {  	[smem:$0x3FB3] =	sst s6  }
0xf: {  	[smem:$0x3FB4] =	sst s7  }
0x10: {  	[smem:$0x3FB5] =	sst s8  }
0x11: {  	[smem:$0x3FB6] =	sst s9;
	s0 =	simm.s32 @!p0 $0x0  }
0x12: {  	s1 =	sld [smem:$0x3F9C];
	s0 =	simm.s32 @p0 $0x1  }
0x13: {  	[smem:$0x3FB7] =	sst s0;
	s0 =	simm.s32 @!p1 $0x0  }
0x14: {  	s2 =	sld [smem:$0x3F9B];
	s0 =	simm.s32 @p1 $0x1  }
0x15: {  	[smem:$0x3FB8] =	sst s0;
	s0 =	simm.s32 @!p2 $0x0  }
0x16: {  	s3 =	sld [smem:$0x3FDB];
	s0 =	simm.s32 @p2 $0x1  }
0x17: {  	s4 =	simm.s32 $0x1BF5;
	[smem:$0x3FBA] =	sst s0  }
0x18: {  	s0 =	sld [smem:$0x3F9D];
	_ =	swait.ge [sflag:s4], $0x0  }
0x19: {  	s7 =	sld [smem:$0x3F9E]  }
0x1a: {  	s8 =	sadd.s32 $0xFFFFE003, lr  }
0x1b: {  	s9 =	sadd.s32 $0xFFFFFEF7, lr;
	s5 =	simm.s32 $0xFFFFFFFF;
	p2 =	slt.u32 s8, $0xFFFFF086  }
0x1c: {  	p1 =	slt.u32 s9, $0xF7A;
	s5 =	simm.s32 @!p2 $0x0  }
0x1d: {  	s5 =	simm.s32 @p1 $0x1;
	p0 =	seq.s32 s7, s2  }
0x1e: {  	s7 =	smul.u32 @!p0 $0xF7A, s2;
	p2 =	seq.s32 @!p0 s5, $0x0  }
0x1f: {  	s9 =	smul.u32 $0xF7A, s1;
	s8 =	simm.s32 @!p0 $0x1BF5;
	p2 =	por !p2, p0  }
0x20: {  	[sflag:s8] =	ssyncset.s32 @!p0 $0xFFFFF086;
	s6 =	sadd.s32 @!p0 s3, s7;
	s7 =	simm.s32 @!p0 $0x108  }
0x21: {  	s3 =	sadd.s32 s3, s9;
	s6 =	sadd.s32 @!p0 $0x88, s6;
	s7 =	simm.s32 @p2 $0x1082  }
0x22: {  	[simem:s7], [sflag:s8] =	dma.local @!p0 [hbm:s6], $0xF7A  }
0x23: {  	s9 =	sor.u32 $0xD0000000, s2;
	s6 =	simm.s32 $0x108;
	_ =	swait.ge @!p0 [sflag:s8], $0x0  }
0x24: {  	s3 =	sadd.s32 $0x88, s3;
	s6 =	simm.s32 @!p1 $0x1082;
	[sflag:s4] =	ssyncset.s32 $0xFFFFF086  }
0x25: {  	[simem:s6], [sflag:s4] =	dma.local [hbm:s3], $0xF7A  }
0x26: {  	[smem:$0x3F9E] =	sst s1;
	(tag) =	ssettag s2;
	_ =	strace s9  }
0x27: {  	s1 =	sld [smem:$0x3FAE]  }
0x28: {  	s2 =	sld [smem:$0x3FAF]  }
0x29: {  	s4 =	sld [smem:$0x3FB1]  }
0x2a: {  	p0 =	seq.s32 s5, $0x0;
	s5 =	sld [smem:$0x3FB2]  }
0x2b: {  	s6 =	sld [smem:$0x3FB3]  }
0x2c: {  	s7 =	sld [smem:$0x3FB4]  }
0x2d: {  	s3 =	simm.s32 $0x108;
	s8 =	sld [smem:$0x3FB5]  }
0x2e: {  	s3 =	simm.s32 @!p0 $0x1082;
	s9 =	sld [smem:$0x3FB6]  }
0x2f: {  	lr =	sadd.s32 s0, s3;
	s0 =	sld [smem:$0x3FAD]  }
0x30: {  	s3 =	sld [smem:$0x3FB0]  }
0x31: {  	[smem:$0x3FB9] =	sst s10  }
0x32: {  	s10 =	sld [smem:$0x3FB7];
	_ =	sdelay $0x3  }
0x33: {  	p0 =	seq.s32 s10, $0x1;
	s10 =	sld [smem:$0x3FB9];
	_ =	sdelay $0x3  }
0x34: {  	[smem:$0x3FB9] =	sst s10  }
0x35: {  	s10 =	sld [smem:$0x3FB8];
	_ =	sdelay $0x3  }
0x36: {  	p1 =	seq.s32 s10, $0x1;
	s10 =	sld [smem:$0x3FB9];
	_ =	sdelay $0x3  }
0x37: {  	[smem:$0x3FB9] =	sst s10  }
0x38: {  	s10 =	sld [smem:$0x3FBA]  }
0x39: {  	_ = 	snop;
	(pc) =	sbr.ind lr, $3  }
0x3a: {  	_ = 	snop  }
0x3b: {  	_ = 	snop  }
0x3c: {  	p2 =	seq.s32 s10, $0x1;
	s10 =	sld [smem:$0x3FB9]  }
0x3d: {  	_ =	shalt  }
0x3e: {  	_ =	shalt  }
0x3f: {  	_ =	shalt  }
0x40: {  	_ =	shalt  }
0x41: {  	_ =	shalt  }
0x42: {  	_ =	shalt  }
0x43: {  	_ =	shalt  }
0x44: {  	_ =	shalt  }
0x45: {  	_ =	shalt  }
0x46: {  	_ =	shalt  }
0x47: {  	_ =	shalt  }
0x48: {  	_ =	shalt  }
0x49: {  	_ =	shalt  }
0x4a: {  	_ =	shalt  }
0x4b: {  	_ =	shalt  }
0x4c: {  	_ =	shalt  }
0x4d: {  	_ =	shalt  }
0x4e: {  	_ =	shalt  }
0x4f: {  	_ =	shalt  }
0x50: {  	_ =	shalt  }
0x51: {  	_ =	shalt  }
0x52: {  	_ =	shalt  }
0x53: {  	_ =	shalt  }
0x54: {  	_ =	shalt  }
0x55: {  	_ =	shalt  }
0x56: {  	_ =	shalt  }
0x57: {  	_ =	shalt  }
0x58: {  	_ =	shalt  }
0x59: {  	_ =	shalt  }
0x5a: {  	_ =	shalt  }
0x5b: {  	_ =	shalt  }
0x5c: {  	_ =	shalt  }
0x5d: {  	_ =	shalt  }
0x5e: {  	_ =	shalt  }
0x5f: {  	_ =	shalt  }
0x60: {  	_ =	shalt  }
0x61: {  	_ =	shalt  }
0x62: {  	_ =	shalt  }
0x63: {  	_ =	shalt  }
0x64: {  	_ =	shalt  }
0x65: {  	_ =	shalt  }
0x66: {  	_ =	shalt  }
0x67: {  	_ =	shalt  }
0x68: {  	_ =	shalt  }
0x69: {  	_ =	shalt  }
0x6a: {  	_ =	shalt  }
0x6b: {  	_ =	shalt  }
0x6c: {  	_ =	shalt  }
0x6d: {  	_ =	shalt  }
0x6e: {  	_ =	shalt  }
0x6f: {  	_ =	shalt  }
0x70: {  	_ =	shalt  }
0x71: {  	_ =	shalt  }
0x72: {  	_ =	shalt  }
0x73: {  	_ =	shalt  }
0x74: {  	_ =	shalt  }
0x75: {  	_ =	shalt  }
0x76: {  	_ =	shalt  }
0x77: {  	_ =	shalt  }
0x78: {  	_ =	shalt  }
0x79: {  	_ =	shalt  }
0x7a: {  	_ =	shalt  }
0x7b: {  	_ =	shalt  }
0x7c: {  	_ =	shalt  }
0x7d: {  	_ =	shalt  }
0x7e: {  	_ =	shalt  }
0x7f: {  	_ =	shalt  }
0x80: {  	_ =	shalt  }
0x81: {  	_ =	shalt  }
0x82: {  	_ =	shalt  }
0x83: {  	_ =	shalt  }
0x84: {  	_ =	shalt  }
0x85: {  	_ =	shalt  }
0x86: {  	_ =	shalt  }
0x87: {  	_ =	shalt  }
.Lfunc_end0:
.L_simem_size_0:
called_computation_lowered:
.L_overlay_start_0:
0x88: {  	s2 =	sld [smem:$0x3FD9]  }
0x89: {  	s3 =	sld [smem:$0x3FFE];
	_ =	sdelay $0x1  }
0x8a: {  	s1 =	srdreg.scid  }
0x8b: {  	s0 =	sand.u32 $0x1, s1  }
0x8c: {  	s16 =	sshll.u32 s0, $0xA;
	s2 =	sadd.s32 s3, s2  }
0x8d: {  	s2 =	sadd.s32 s2, s16  }
0x8e: {  	[smem:$0x3FC5] =	sst s2  }
0x8f: {  	_ = 	snop  }
0x90: {  	(tm) =	ssettm $0x1  }
0x91: {  	s17 =	sld [smem:$0x3FFB];
	_ =	sdelay $0x3  }
0x92: {  	_ =	strace s17  }
0x93: {  	s2 =	sld [smem:$0x3FFC];
	_ =	sdelay $0x3  }
0x94: {  	_ =	strace s2  }
0x95: {  	s2 =	sld [smem:$0x3FFD];
	_ =	sdelay $0x3  }
0x96: {  	_ =	strace s2  }
0x97: {  	_ =	strace $0x8FFFFFFF  }
0x98: {  	s18 =	sld [smem:$0x3FDB];
	_ =	sdelay $0x1  }
0x99: {  	s19 =	simm.s32 $_scs_section_size  }
0x9a: {  	s4 =	simm.s32 $_size__tile_overlayer_lowered;
	s5 =	simm.s32 $_tile_overlayer_lowered  }
0x9b: {  	s22 =	simm.s32 $0x1BFF;
	s21 =	sshll.u32 s5, $0x1;
	s2 =	sadd.s32 s19, s18  }
0x9c: {  	s6 =	simm.s32 $0x0;
	s20 =	sshll.u32 s4, $0x1;
	s4 =	sadd.s32 s21, s2  }
0x9d: {  	[timem:s6], [sflag:s22] =	dma.local [hbm:s4], s20  }
0x9e: {  	_ =	swait.ge [sflag:s22], s20  }
0x9f: {  	s3 =	ssub.s32 $0x0, s20;
	[sflag:s22] =	ssyncset.done $0x0  }
0xa0: {  	[sflag:s22] =	ssyncadd.s32 s3;
	_ =	sdelay $0x1  }
0xa1: {  	s23 =	simm.s32 $0x1B8B  }
0xa2: {  	_ =	swait.ge [sflag:s23], $0x1  }
0xa3: {  	[sflag:s23] =	ssyncset.done $0x0  }
0xa4: {  	s25 =	simm.s32 $0x1B8E;
	s24 =	sld [smem:$0x3FFE];
	[sflag:s23] =	ssyncadd.s32 $0xFFFFFFFF  }
0xa5: {  	s26 =	simm.s32 $execute0_lowered;
	[smem:$0x3FD2] =	sst s25  }
0xa6: {  	s4 =	sshll.u32 s26, $0x1;
	_ =	strace $0x80000046;
	[dreg:$0x1] =	wrdreg $0xFFFFFFFF  }
0xa7: {  	s28 =	simm.s32 $_size_execute0_lowered;
	s2 =	sadd.s32 s2, s4;
	[dreg:$0x0] =	wrdreg $0x0  }
0xa8: {  	s4 =	sshll.u32 s28, $0x1;
	[dreg:$0x2] =	wrdreg s2  }
0xa9: {  	[dreg:$0x3] =	wrdreg s4  }
0xaa: {  	[dreg:$0x4] =	wrdreg $0xC0  }
0xab: {  	_ =	task [dreg:s6], $0x5FFFF  }
0xac: {  	[dreg:$0x1] =	wrdreg $0xFFFFFFFF  }
0xad: {  	[dreg:$0x0] =	wrdreg $0x60  }
0xae: {  	[dreg:$0x2] =	wrdreg s24  }
0xaf: {  	[dreg:$0x3] =	wrdreg $0x9  }
0xb0: {  	_ =	task.clear_ibuf [dreg:s6], $0x4FFFF;
	_ =	strace $0x90000046  }
0xb1: {  	s29 =	simm.s32 $0x9;
	_ =	strace $0x80000048  }
0xb2: {  	_ =	swait.ge [sflag:s29], $0x1  }
0xb3: {  	[sflag:s29] =	ssyncadd.s32 $0xFFFFFFFF  }
0xb4: {  	_ =	strace $0x90000048  }
0xb5: {  	_ =	sfence  }
0xb6: {  	s30 =	sld [smem:$0x0];
	_ =	sdelay $0x2  }
0xb7: {  	s31 =	sshll.u32 s1, $0xD;
	s1 =	sshrl.u32 s1, $0x2  }
0xb8: {  	s3 =	sand.u32 $0x4000, s31;
	s1 =	sadd.s32 s1, s30  }
0xb9: {  	s0 =	sor.u32 s3, s0;
	s1 =	sshll.u32 s1, $0x11  }
0xba: {  	s0 =	sor.u32 s1, s0  }
0xbb: {  	s0 =	sadd.s32 $0x8F2B, s0  }
0xbc: {  	[sflag:s0] =	ssyncadd.remote.s32 $0x1  }
0xbd: {  	_ =	sfence.sel $0xFFFF  }
0xbe: {  	[dreg:$0x0] =	wrdreg $0xFFFFFFFF;
	(pc) =	sbr.abs _section_cstart, $3  }
0xbf: {  	[dreg:$0x1] =	wrdreg $0xFFFFFFFF  }
0xc0: {  	_ =	task.clear_ibuf [dreg:s6], $0x2FFFF;
	_ =	strace $0x9FFFFFFF  }
0xc1: {  	(tm) =	ssettm $0x7FFFFFFF  }
tec
execute0_lowered:
.L_overlay_start_1:
0x0: {  	(tag) =	ssettag $0x1  }
0x1: {  	v0 =	vimm.s32 $0x2380;
	vm0 =	vcmask $0x300  }
0x2: {  	vm14 =	vcmask $0x704;
	v0 =	vsel vm0, $0x0, v0  }
0x3: {  	vm15 =	vcmask $0xB08;
	v0 =	vsel vm14, $0x80, v0  }
0x4: {  	vm4 =	vcmask $0xF0C;
	v0 =	vsel vm15, $0x100, v0  }
0x5: {  	vm5 =	vcmask $0x1310;
	v0 =	vsel vm4, $0x180, v0  }
0x6: {  	vm6 =	vcmask $0x1714;
	v0 =	vsel vm5, $0x200, v0  }
0x7: {  	s3 =	rddreg [dreg:$0x0];
	vm7 =	vcmask $0x1B18;
	v0 =	vsel vm6, $0x280, v0  }
0x8: {  	s0 =	rddreg [dreg:$0x1];
	s1 =	simm.s32 $0x0;
	s4 =	srdreg.scid;
	vm8 =	vcmask $0x1F1C;
	v0 =	vsel vm7, $0x300, v0  }
0x9: {  	s2 =	stileid.u32;
	vm9 =	vcmask $0x2320;
	s10 =	simm.s32 $0x2;
	s11 =	simm.s32 $0x8000;
	v0 =	vsel vm8, $0x380, v0  }
0xa: {  	vm10 =	vcmask $0x2724;
	s12 =	simm.s32 $0xC000;
	s13 =	simm.s32 $0x0;
	[smem:$0x7FF] =	sst s1;
	v0 =	vsel vm9, $0x2000, v0  }
0xb: {  	vm11 =	vcmask $0x2B28;
	s4 =	sand.u32 $0x1, s4;
	s5 =	sshll.u32 s2, $0xD;
	s7 =	sadd.s32 $0xC00, s3;
	v0 =	vsel vm10, $0x2080, v0  }
0xc: {  	vm12 =	vcmask $0x2F2C;
	s30 =	sadd.s32 $0x20C00, s3;
	s6 =	sshll.u32 s4, $0xC;
	s4 =	ssub.s32 $0x2, s4;
	v0 =	vsel vm11, $0x2100, v0  }
0xd: {  	vm13 =	vcmask $0x3330;
	_ =	strace $0x80000047;
	s5 =	sor.u32 s6, s5;
	s31 =	sshrl.u32 s4, $0x1;
	v0 =	vsel vm12, $0x2180, v0  }
0xe: {  	vm14 =	vcmask $0x3734;
	s8 =	sor.u32 $0x800, s5;
	s9 =	ssub.s32 s4, s31;
	s3 =	sadd.s32 s7, s5;
	v0 =	vsel vm13, $0x2200, v0  }
0xf: {  	vm15 =	vcmask $0x3B38;
	s5 =	sadd.s32 s30, s5;
	s4 =	sadd.s32 s7, s8;
	s6 =	sadd.s32 s30, s8;
	v1 =	vsel vm14, $0x2280, v0  }
0x10: {  	v2 =	vimm.f32 $1.000000000e+00;
	s7 =	smax.u32 s9, $0x1;
	s8 =	simm.s32 $0x4000;
	s9 =	simm.s32 $0x1;
	v0 =	vimm.f32 $0.0e+00;
	v1 =	vsel vm15, $0x2300, v1  }
.LBB2_1:
0x11: {  	[tilespmem:s1], [sflag:$0x1] =	stream.linear.gather [hbm4b:s3+s1], $0x4000, $0x38;
	[tilespmem:$0x10000] =	vst v63  }
0x12: {  	s14 =	sand.u32 $0x70, s1;
	s15 =	sand.u32 $0x1C00, s1  }
0x13: {  	s14 =	sor.u32 s14, s15  }
0x14: {  	[tilespmem:s8], [sflag:$0x2] =	stream.linear.gather [hbm4b:s4+s1], $0x4000, $0x38;
	[tilespmem:$0x10000] =	vst v63  }
0x15: {  	[tilespmem:s14+$0x8000] =	vst v0  }
0x16: {  	[tilespmem:s14+$0xC000] =	vst v0  }
0x17: {  	[tilespmem:s14+$0x8080] =	vst v0  }
0x18: {  	[tilespmem:s14+$0xC080] =	vst v0  }
0x19: {  	[tilespmem:s14+$0x8100] =	vst v0  }
0x1a: {  	[tilespmem:s14+$0xC100] =	vst v0  }
0x1b: {  	[tilespmem:s14+$0x8180] =	vst v0  }
0x1c: {  	[tilespmem:s14+$0xC180] =	vst v0  }
0x1d: {  	[tilespmem:s14+$0x8200] =	vst v0  }
0x1e: {  	[tilespmem:s14+$0xC200] =	vst v0  }
0x1f: {  	[tilespmem:s14+$0x8280] =	vst v0  }
0x20: {  	[tilespmem:s14+$0xC280] =	vst v0  }
0x21: {  	s17 =	sor.u32 s1, s1;
	[tilespmem:s14+$0x8300] =	vst v0  }
0x22: {  	s31 =	sor.u32 $0x380, s17;
	[tilespmem:s14+$0xC300] =	vst v0  }
0x23: {  	[tilespmem:s31+$0x8000] =	vst v0  }
0x24: {  	[tilespmem:s31+$0xC000] =	vst v0  }
0x25: {  	[tilespmem:s14+$0xA000] =	vst v0  }
0x26: {  	[tilespmem:s14+$0xE000] =	vst v0  }
0x27: {  	[tilespmem:s14+$0xA080] =	vst v0  }
0x28: {  	[tilespmem:s14+$0xE080] =	vst v0  }
0x29: {  	[tilespmem:s14+$0xA100] =	vst v0  }
0x2a: {  	[tilespmem:s14+$0xE100] =	vst v0  }
0x2b: {  	[tilespmem:s14+$0xA180] =	vst v0  }
0x2c: {  	[tilespmem:s14+$0xE180] =	vst v0  }
0x2d: {  	[tilespmem:s14+$0xA200] =	vst v0  }
0x2e: {  	[tilespmem:s14+$0xE200] =	vst v0  }
0x2f: {  	[tilespmem:s14+$0xA280] =	vst v0  }
0x30: {  	[tilespmem:s14+$0xE280] =	vst v0  }
0x31: {  	s16 =	simm.s32 $0x0;
	s15 =	simm.s32 $0x10;
	[tilespmem:s14+$0xA300] =	vst v0  }
.LBB2_2:
0x32: {  	p0 =	sne.s32 s15, $0x3E0;
	[tilespmem:s14+$0xE300] =	vst v0;
	s17 =	sor.u32 $0x2380, s17;
	s16 =	sadd.s32 $0x80, s16  }
0x33: {  	s14 =	sand.u32 $0x70, s15;
	s18 =	sand.u32 $0x1C00, s16;
	[tilespmem:s17+$0xC000] =	vst v0  }
0x34: {  	s14 =	sor.u32 s14, s18;
	[tilespmem:s17+$0x8000] =	vst v0  }
0x35: {  	[tilespmem:s14+$0x8000] =	vst v0  }
0x36: {  	[tilespmem:s14+$0xC000] =	vst v0  }
0x37: {  	[tilespmem:s14+$0x8080] =	vst v0  }
0x38: {  	[tilespmem:s14+$0xC080] =	vst v0  }
0x39: {  	[tilespmem:s14+$0x8100] =	vst v0  }
0x3a: {  	[tilespmem:s14+$0xC100] =	vst v0  }
0x3b: {  	[tilespmem:s14+$0x8180] =	vst v0  }
0x3c: {  	[tilespmem:s14+$0xC180] =	vst v0  }
0x3d: {  	[tilespmem:s14+$0x8200] =	vst v0  }
0x3e: {  	[tilespmem:s14+$0xC200] =	vst v0  }
0x3f: {  	[tilespmem:s14+$0x8280] =	vst v0  }
0x40: {  	[tilespmem:s14+$0xC280] =	vst v0  }
0x41: {  	s17 =	sor.u32 s15, s16;
	[tilespmem:s14+$0x8300] =	vst v0  }
0x42: {  	s18 =	sor.u32 $0x380, s17;
	[tilespmem:s14+$0xC300] =	vst v0  }
0x43: {  	[tilespmem:s18+$0x8000] =	vst v0  }
0x44: {  	[tilespmem:s18+$0xC000] =	vst v0  }
0x45: {  	[tilespmem:s14+$0xA000] =	vst v0  }
0x46: {  	[tilespmem:s14+$0xE000] =	vst v0  }
0x47: {  	[tilespmem:s14+$0xA080] =	vst v0  }
0x48: {  	[tilespmem:s14+$0xE080] =	vst v0  }
0x49: {  	[tilespmem:s14+$0xA100] =	vst v0  }
0x4a: {  	[tilespmem:s14+$0xE100] =	vst v0  }
0x4b: {  	[tilespmem:s14+$0xA180] =	vst v0  }
0x4c: {  	[tilespmem:s14+$0xE180] =	vst v0  }
.Ltmp0:
0x4d: {  	[tilespmem:s14+$0xA200] =	vst v0;
	(pc) =	sbr.rel @p0 .LBB2_2-.Ltmp0, $4  }
0x4e: {  	[tilespmem:s14+$0xE200] =	vst v0  }
0x4f: {  	[tilespmem:s14+$0xA280] =	vst v0  }
0x50: {  	[tilespmem:s14+$0xE280] =	vst v0  }
0x51: {  	s15 =	sadd.s32 $0x10, s15;
	[tilespmem:s14+$0xA300] =	vst v0  }
0x52: {  	[tilespmem:s14+$0xE300] =	vst v0;
	s31 =	sor.u32 $0x2380, s17;
	v3 =	vlaneseq.u32  }
0x53: {  	[tilespmem:s31+$0xC000] =	vst v0;
	v4 =	vshll.u32 v3, $0x3  }
0x54: {  	[tilespmem:s31+$0x8000] =	vst v0;
	v5 =	vand.u32 $0x7F, v3;
	v4 =	vand.u32 $0xFFFFFC00, v4  }
0x55: {  	_ =	swait.ge [sflag:s9], $0x4000;
	v4 =	vor.u32 v5, v4  }
0x56: {  	[sflag:s9] =	ssyncset.done $0x0;
	v4 =	vadd.s32 v1, v4  }
0x57: {  	[sflag:s9] =	ssyncadd.s32 $0xFFFFC000  }
0x58: {  	_ =	swait.ge [sflag:s10], $0x4000  }
0x59: {  	[sflag:s10] =	ssyncset.done $0x0  }
0x5a: {  	[sflag:s10] =	ssyncadd.s32 $0xFFFFC000  }
0x5b: {  	v5 =	vld.idx.msk [tilespmem:v4+s1+$0x0], $0xffff  }
0x5c: {  	v4 =	vld.idx.msk [tilespmem:v4+s8+$0x0], $0xffff;
	_ =	sdelay $0x3  }
0x5d: {  	v5 =	vtrunc.f32 v5  }
0x5e: {  	v4 =	vtrunc.f32 v4;
	v5 =	vcvt.f32.s32 v5  }
0x5f: {  	v8 =	vadd.s32 $0x1, v3;
	v4 =	vcvt.f32.s32 v4  }
0x60: {  	v3 =	vadd.s32 $0xFFFFFC19, v3;
	vm0 =	vgt.s32 v8, $0x3E7;
	v6 =	vshll.u32 v5, $0x3  }
0x61: {  	v7 =	vshll.u32 v4, $0x3;
	v5 =	vand.u32 $0x7F, v5;
	v6 =	vand.u32 $0xFFFFFC00, v6  }
0x62: {  	v4 =	vand.u32 $0x7F, v4;
	v7 =	vand.u32 $0xFFFFFC00, v7;
	v5 =	vor.u32 v5, v6  }
0x63: {  	v6 =	vsel vm0, v3, v8;
	v7 =	vor.u32 v4, v7;
	v3 =	vadd.s32 v1, v5  }
0x64: {  	v4 =	vadd.s32 $0x1, v6;
	v5 =	vshll.u32 v6, $0x3;
	v8 =	vadd.s32 $0xFFFFFC19, v6  }
0x65: {  	v6 =	vand.u32 $0x7F, v6;
	vm13 =	vgt.s32 v4, $0x3E7;
	v5 =	vand.u32 $0xFFFFFC00, v5  }
0x66: {  	v4 =	vsel vm13, v8, v4;
	v5 =	vor.u32 v6, v5  }
0x67: {  	v6 =	vand.u32 $0x7F, v4;
	v8 =	vadd.s32 $0x1, v4;
	v9 =	vshll.u32 v4, $0x3  }
0x68: {  	v4 =	vadd.s32 $0xFFFFFC19, v4;
	v5 =	vadd.s32 v1, v5;
	vm14 =	vgt.s32 v8, $0x3E7  }
0x69: {  	v7 =	vadd.s32 v1, v7;
	v9 =	vand.u32 $0xFFFFFC00, v9;
	v4 =	vsel vm14, v4, v8  }
0x6a: {  	v6 =	vor.u32 v6, v9;
	v8 =	vand.u32 $0x7F, v4;
	v9 =	vadd.s32 $0x1, v4  }
0x6b: {  	v10 =	vshll.u32 v4, $0x3;
	v4 =	vadd.s32 $0xFFFFFC19, v4;
	vm15 =	vgt.s32 v9, $0x3E7  }
0x6c: {  	v6 =	vadd.s32 v1, v6;
	v10 =	vand.u32 $0xFFFFFC00, v10;
	v4 =	vsel vm15, v4, v9  }
0x6d: {  	v8 =	vor.u32 v8, v10;
	v13 =	vld.idx.msk [tilespmem:v5+s1+$0x0], $0xffff;
	v9 =	vand.u32 $0x7F, v4;
	v10 =	vadd.s32 $0x1, v4  }
0x6e: {  	v5 =	vld.idx.msk [tilespmem:v5+s8+$0x0], $0xffff;
	v11 =	vshll.u32 v4, $0x3;
	v4 =	vadd.s32 $0xFFFFFC19, v4;
	vm4 =	vgt.s32 v10, $0x3E7  }
0x6f: {  	v8 =	vadd.s32 v1, v8;
	v11 =	vand.u32 $0xFFFFFC00, v11;
	v4 =	vsel vm4, v4, v10  }
0x70: {  	v9 =	vor.u32 v9, v11;
	v10 =	vand.u32 $0x7F, v4;
	v11 =	vadd.s32 $0x1, v4  }
0x71: {  	v12 =	vshll.u32 v4, $0x3;
	v4 =	vadd.s32 $0xFFFFFC19, v4;
	v9 =	vadd.s32 v1, v9  }
0x72: {  	vm5 =	vgt.s32 v11, $0x3E7;
	v12 =	vand.u32 $0xFFFFFC00, v12;
	v13 =	vtrunc.f32 v13  }
0x73: {  	v5 =	vtrunc.f32 v5;
	v4 =	vsel vm5, v4, v11;
	v10 =	vor.u32 v10, v12  }
0x74: {  	v13 =	vcvt.f32.s32 v13;
	v5 =	vcvt.f32.s32 v5;
	v12 =	vand.u32 $0x7F, v4  }
0x75: {  	v11 =	vld.idx.msk [tilespmem:v6+s1+$0x0], $0xffff;
	v14 =	vadd.s32 $0x1, v4;
	v15 =	vshll.u32 v4, $0x3;
	v4 =	vadd.s32 $0xFFFFFC19, v4  }
0x76: {  	v6 =	vld.idx.msk [tilespmem:v6+s8+$0x0], $0xffff;
	v10 =	vadd.s32 v1, v10;
	vm6 =	vgt.s32 v14, $0x3E7;
	v15 =	vand.u32 $0xFFFFFC00, v15  }
0x77: {  	v16 =	vld.idx.msk [tilespmem:v8+s1+$0x0], $0xffff;
	v33 =	vshll.u32 v13, $0x3;
	v34 =	vshll.u32 v5, $0x3;
	v13 =	vand.u32 $0x7F, v13  }
0x78: {  	v8 =	vld.idx.msk [tilespmem:v8+s8+$0x0], $0xffff;
	v5 =	vand.u32 $0x7F, v5;
	v4 =	vsel vm6, v4, v14;
	v12 =	vor.u32 v12, v15  }
0x79: {  	v33 =	vand.u32 $0xFFFFFC00, v33;
	v34 =	vand.u32 $0xFFFFFC00, v34;
	v14 =	vand.u32 $0x7F, v4  }
0x7a: {  	v15 =	vadd.s32 $0x1, v4;
	v17 =	vshll.u32 v4, $0x3;
	v4 =	vadd.s32 $0xFFFFFC19, v4  }
0x7b: {  	v18 =	vld.idx.msk [tilespmem:v9+s1+$0x0], $0xffff;
	v12 =	vadd.s32 v1, v12;
	v13 =	vor.u32 v13, v33;
	v5 =	vor.u32 v5, v34  }
0x7c: {  	v9 =	vld.idx.msk [tilespmem:v9+s8+$0x0], $0xffff;
	vm7 =	vgt.s32 v15, $0x3E7;
	v11 =	vtrunc.f32 v11;
	v16 =	vtrunc.f32 v16  }
0x7d: {  	v17 =	vand.u32 $0xFFFFFC00, v17;
	v6 =	vtrunc.f32 v6;
	v8 =	vtrunc.f32 v8  }
0x7e: {  	v4 =	vsel vm7, v4, v15;
	v16 =	vcvt.f32.s32 v16;
	v8 =	vcvt.f32.s32 v8  }
0x7f: {  	v14 =	vor.u32 v14, v17;
	v11 =	vcvt.f32.s32 v11;
	v6 =	vcvt.f32.s32 v6  }
0x80: {  	v15 =	vand.u32 $0x7F, v4;
	v17 =	vshll.u32 v4, $0x3;
	v14 =	vadd.s32 v1, v14  }
0x81: {  	v17 =	vand.u32 $0xFFFFFC00, v17;
	v9 =	vtrunc.f32 v9;
	v21 =	vshll.u32 v16, $0x3  }
0x82: {  	v25 =	vshll.u32 v8, $0x3;
	v28 =	vshll.u32 v11, $0x3;
	v35 =	vshll.u32 v6, $0x3  }
0x83: {  	v19 =	vld.idx.msk [tilespmem:v10+s1+$0x0], $0xffff;
	v16 =	vand.u32 $0x7F, v16;
	v8 =	vand.u32 $0x7F, v8;
	v11 =	vand.u32 $0x7F, v11  }
0x84: {  	v10 =	vld.idx.msk [tilespmem:v10+s8+$0x0], $0xffff;
	v6 =	vand.u32 $0x7F, v6;
	v15 =	vor.u32 v15, v17;
	v17 =	vtrunc.f32 v18  }
0x85: {  	v9 =	vcvt.f32.s32 v9;
	v21 =	vand.u32 $0xFFFFFC00, v21;
	v25 =	vand.u32 $0xFFFFFC00, v25  }
0x86: {  	v28 =	vand.u32 $0xFFFFFC00, v28;
	v35 =	vand.u32 $0xFFFFFC00, v35;
	v15 =	vadd.s32 v1, v15  }
0x87: {  	v17 =	vcvt.f32.s32 v17;
	v11 =	vor.u32 v11, v28;
	v16 =	vor.u32 v16, v21  }
0x88: {  	[tilespmem:v3+s11+$0x0] =	vst.idx.add.f32.msk $0xffff, v2;
	v8 =	vor.u32 v8, v25;
	v6 =	vor.u32 v6, v35;
	v19 =	vtrunc.f32 v19  }
0x89: {  	v18 =	vld.idx.msk [tilespmem:v12+s1+$0x0], $0xffff;
	v23 =	vshll.u32 v9, $0x3;
	v10 =	vtrunc.f32 v10;
	v9 =	vand.u32 $0x7F, v9  }
0x8a: {  	v12 =	vld.idx.msk [tilespmem:v12+s8+$0x0], $0xffff;
	v16 =	vadd.s32 v1, v16;
	v8 =	vadd.s32 v1, v8;
	v61 =	vadd.s32 v1, v11  }
0x8b: {  	[tilespmem:v7+s12+$0x0] =	vst.idx.add.f32.msk $0xffff, v2;
	v7 =	vadd.s32 v1, v6;
	v6 =	vadd.s32 v1, v13;
	v22 =	vshll.u32 v17, $0x3  }
0x8c: {  	v19 =	vcvt.f32.s32 v19;
	v10 =	vcvt.f32.s32 v10;
	v23 =	vand.u32 $0xFFFFFC00, v23  }
0x8d: {  	v20 =	vld.idx.msk [tilespmem:v14+s1+$0x0], $0xffff;
	v17 =	vand.u32 $0x7F, v17;
	v22 =	vand.u32 $0xFFFFFC00, v22;
	v9 =	vor.u32 v9, v23  }
0x8e: {  	v14 =	vld.idx.msk [tilespmem:v14+s8+$0x0], $0xffff;
	v26 =	vshll.u32 v19, $0x3;
	v18 =	vtrunc.f32 v18;
	v27 =	vshll.u32 v10, $0x3  }
0x8f: {  	v12 =	vtrunc.f32 v12;
	v19 =	vand.u32 $0x7F, v19;
	v10 =	vand.u32 $0x7F, v10  }
0x90: {  	v17 =	vor.u32 v17, v22;
	v9 =	vadd.s32 v1, v9;
	v18 =	vcvt.f32.s32 v18  }
0x91: {  	v12 =	vcvt.f32.s32 v12;
	v26 =	vand.u32 $0xFFFFFC00, v26;
	v27 =	vand.u32 $0xFFFFFC00, v27  }
0x92: {  	v24 =	vld.idx.msk [tilespmem:v15+s1+$0x0], $0xffff;
	v17 =	vadd.s32 v1, v17;
	v19 =	vor.u32 v19, v26;
	v10 =	vor.u32 v10, v27  }
0x93: {  	v15 =	vld.idx.msk [tilespmem:v15+s8+$0x0], $0xffff;
	v20 =	vtrunc.f32 v20;
	v14 =	vtrunc.f32 v14;
	v29 =	vshll.u32 v18, $0x3  }
0x94: {  	v32 =	vshll.u32 v12, $0x3;
	v18 =	vand.u32 $0x7F, v18;
	v12 =	vand.u32 $0x7F, v12  }
0x95: {  	v19 =	vadd.s32 v1, v19;
	v10 =	vadd.s32 v1, v10;
	v20 =	vcvt.f32.s32 v20  }
0x96: {  	v14 =	vcvt.f32.s32 v14;
	v29 =	vand.u32 $0xFFFFFC00, v29;
	v32 =	vand.u32 $0xFFFFFC00, v32  }
0x97: {  	v18 =	vor.u32 v18, v29;
	v12 =	vor.u32 v12, v32;
	v24 =	vtrunc.f32 v24  }
0x98: {  	v30 =	vshll.u32 v20, $0x3;
	v15 =	vtrunc.f32 v15;
	v31 =	vshll.u32 v14, $0x3  }
0x99: {  	v20 =	vand.u32 $0x7F, v20;
	v14 =	vand.u32 $0x7F, v14;
	v24 =	vcvt.f32.s32 v24  }
0x9a: {  	v15 =	vcvt.f32.s32 v15;
	v30 =	vand.u32 $0xFFFFFC00, v30;
	v31 =	vand.u32 $0xFFFFFC00, v31  }
0x9b: {  	v18 =	vadd.s32 v1, v18;
	v20 =	vor.u32 v20, v30;
	v14 =	vor.u32 v14, v31  }
0x9c: {  	v36 =	vshll.u32 v24, $0x3;
	v59 =	vshll.u32 v15, $0x3;
	v24 =	vand.u32 $0x7F, v24  }
0x9d: {  	v15 =	vand.u32 $0x7F, v15;
	v14 =	vadd.s32 v1, v14;
	v3 =	vand.u32 $0xFFFFFC00, v59  }
0x9e: {  	v15 =	vor.u32 v15, v3;
	v3 =	vadd.s32 v1, v20;
	v20 =	vadd.s32 $0x1, v4  }
0x9f: {  	v36 =	vand.u32 $0xFFFFFC00, v36;
	v4 =	vadd.s32 $0xFFFFFC19, v4;
	vm8 =	vgt.s32 v20, $0x3E7  }
0xa0: {  	v12 =	vadd.s32 v1, v12;
	v60 =	vor.u32 v24, v36;
	v11 =	vsel vm8, v4, v20  }
0xa1: {  	[tilespmem:v16+s11+$0x0] =	vst.idx.add.f32.msk $0xffff, v2;
	v4 =	vadd.s32 v1, v5;
	v13 =	vand.u32 $0x7F, v11;
	v20 =	vadd.s32 $0x1, v11  }
0xa2: {  	[tilespmem:v17+s11+$0x0] =	vst.idx.add.f32.msk $0xffff, v2;
	v5 =	vshll.u32 v11, $0x3;
	v11 =	vadd.s32 $0xFFFFFC19, v11;
	vm9 =	vgt.s32 v20, $0x3E7  }
0xa3: {  	[tilespmem:v3+s11+$0x0] =	vst.idx.add.f32.msk $0xffff, v2;
	v3 =	vadd.s32 v1, v60;
	v11 =	vsel vm9, v11, v20  }
0xa4: {  	[tilespmem:v14+s12+$0x0] =	vst.idx.add.f32.msk $0xffff, v2;
	v14 =	vand.u32 $0xFFFFFC00, v5;
	v5 =	vadd.s32 v1, v15;
	v15 =	vshll.u32 v11, $0x3  }
0xa5: {  	[tilespmem:v18+s11+$0x0] =	vst.idx.add.f32.msk $0xffff, v2;
	v18 =	vadd.s32 $0x1, v11;
	v13 =	vor.u32 v13, v14;
	v14 =	vand.u32 $0x7F, v11  }
0xa6: {  	[tilespmem:v12+s12+$0x0] =	vst.idx.add.f32.msk $0xffff, v2;
	v12 =	vand.u32 $0xFFFFFC00, v15;
	vm10 =	vgt.s32 v18, $0x3E7;
	v11 =	vadd.s32 $0xFFFFFC19, v11  }
0xa7: {  	v13 =	vadd.s32 v1, v13;
	v12 =	vor.u32 v14, v12;
	v11 =	vsel vm10, v11, v18  }
0xa8: {  	[tilespmem:v19+s11+$0x0] =	vst.idx.add.f32.msk $0xffff, v2;
	v14 =	vand.u32 $0x7F, v11;
	v15 =	vshll.u32 v11, $0x3;
	v18 =	vadd.s32 $0x1, v11  }
0xa9: {  	[tilespmem:v10+s12+$0x0] =	vst.idx.add.f32.msk $0xffff, v2;
	v11 =	vadd.s32 $0xFFFFFC19, v11;
	v10 =	vand.u32 $0xFFFFFC00, v15;
	vm11 =	vgt.s32 v18, $0x3E7  }
0xaa: {  	v12 =	vadd.s32 v1, v12;
	v14 =	vor.u32 v14, v10;
	v10 =	vsel vm11, v11, v18  }
0xab: {  	[tilespmem:v9+s12+$0x0] =	vst.idx.add.f32.msk $0xffff, v2;
	v11 =	vand.u32 $0x7F, v10;
	v15 =	vshll.u32 v10, $0x3;
	v17 =	vadd.s32 $0x1, v10  }
0xac: {  	v18 =	vadd.s32 $0xFFFFFC19, v10;
	v9 =	vld.idx.msk [tilespmem:v13+s1+$0x0], $0xffff;
	v15 =	vand.u32 $0xFFFFFC00, v15;
	vm12 =	vgt.s32 v17, $0x3E7  }
0xad: {  	v10 =	vld.idx.msk [tilespmem:v13+s8+$0x0], $0xffff;
	v13 =	vadd.s32 v1, v14;
	v14 =	vor.u32 v11, v15;
	v15 =	vsel vm12, v18, v17  }
0xae: {  	[tilespmem:v61+s11+$0x0] =	vst.idx.add.f32.msk $0xffff, v2;
	v17 =	vand.u32 $0x7F, v15;
	v18 =	vshll.u32 v15, $0x3;
	v19 =	vadd.s32 $0x1, v15  }
0xaf: {  	[tilespmem:v8+s12+$0x0] =	vst.idx.add.f32.msk $0xffff, v2;
	v15 =	vadd.s32 $0xFFFFFC19, v15;
	v16 =	vand.u32 $0xFFFFFC00, v18;
	vm13 =	vgt.s32 v19, $0x3E7  }
0xb0: {  	v18 =	vadd.s32 v1, v14;
	v17 =	vor.u32 v17, v16;
	v15 =	vsel vm13, v15, v19  }
0xb1: {  	v11 =	vld.idx.msk [tilespmem:v12+s1+$0x0], $0xffff;
	v19 =	vand.u32 $0x7F, v15;
	v16 =	vshll.u32 v15, $0x3;
	v20 =	vadd.s32 $0x1, v15  }
0xb2: {  	v14 =	vld.idx.msk [tilespmem:v13+s1+$0x0], $0xffff;
	v62 =	vadd.s32 $0xFFFFFC19, v15;
	v8 =	vand.u32 $0xFFFFFC00, v16;
	vm14 =	vgt.s32 v20, $0x3E7  }
0xb3: {  	v15 =	vadd.s32 v1, v17;
	v16 =	vld.idx.msk [tilespmem:v13+s8+$0x0], $0xffff;
	v8 =	vor.u32 v19, v8;
	v13 =	vsel vm14, v62, v20  }
0xb4: {  	v12 =	vld.idx.msk [tilespmem:v12+s8+$0x0], $0xffff;
	v19 =	vand.u32 $0x7F, v13;
	v20 =	vshll.u32 v13, $0x3;
	v21 =	vadd.s32 $0x1, v13  }
0xb5: {  	v17 =	vld.idx.msk [tilespmem:v18+s1+$0x0], $0xffff;
	v63 =	vadd.s32 $0xFFFFFC19, v13;
	v20 =	vand.u32 $0xFFFFFC00, v20;
	vm15 =	vgt.s32 v21, $0x3E7  }
0xb6: {  	s14 =	simm.s32 $0x8;
	v18 =	vld.idx.msk [tilespmem:v18+s8+$0x0], $0xffff;
	v13 =	vadd.s32 v1, v8;
	v19 =	vor.u32 v19, v20;
	v8 =	vsel vm15, v63, v21  }
.LBB2_4:
0xb7: {  	v20 =	vand.u32 $0x7F, v8;
	v21 =	vshll.u32 v8, $0x3;
	v19 =	vadd.s32 v1, v19;
	[tilespmem:v7+s12+$0x0] =	vst.idx.add.f32.msk $0xffff, v2  }
0xb8: {  	v11 =	vtrunc.f32 v11;
	v14 =	vtrunc.f32 v14;
	v7 =	vand.u32 $0xFFFFFC00, v21;
	v21 =	vld.idx.msk [tilespmem:v15+s1+$0x0], $0xffff  }
0xb9: {  	v12 =	vtrunc.f32 v12;
	v16 =	vtrunc.f32 v16;
	v7 =	vor.u32 v20, v7;
	v15 =	vld.idx.msk [tilespmem:v15+s8+$0x0], $0xffff  }
0xba: {  	v9 =	vtrunc.f32 v9;
	v10 =	vtrunc.f32 v10;
	v7 =	vadd.s32 v1, v7;
	[tilespmem:v6+s11+$0x0] =	vst.idx.add.f32.msk $0xffff, v2  }
0xbb: {  	v6 =	vcvt.f32.s32 v14;
	v14 =	vtrunc.f32 v17;
	v17 =	vld.idx.msk [tilespmem:v13+s1+$0x0], $0xffff  }
0xbc: {  	v14 =	vcvt.f32.s32 v14;
	v18 =	vtrunc.f32 v18;
	v20 =	vld.idx.msk [tilespmem:v19+s1+$0x0], $0xffff  }
0xbd: {  	v16 =	vcvt.f32.s32 v16;
	v22 =	vshll.u32 v6, $0x3;
	v18 =	vcvt.f32.s32 v18;
	v19 =	vld.idx.msk [tilespmem:v19+s8+$0x0], $0xffff  }
0xbe: {  	v11 =	vcvt.f32.s32 v11;
	v23 =	vshll.u32 v14, $0x3;
	v21 =	vtrunc.f32 v21;
	v13 =	vld.idx.msk [tilespmem:v13+s8+$0x0], $0xffff  }
0xbf: {  	v25 =	vshll.u32 v18, $0x3;
	v21 =	vcvt.f32.s32 v21;
	v15 =	vtrunc.f32 v15;
	v24 =	vld.idx.msk [tilespmem:v7+s1+$0x0], $0xffff  }
0xc0: {  	v12 =	vcvt.f32.s32 v12;
	v26 =	vshll.u32 v16, $0x3;
	v15 =	vcvt.f32.s32 v15;
	v7 =	vld.idx.msk [tilespmem:v7+s8+$0x0], $0xffff  }
0xc1: {  	v9 =	vcvt.f32.s32 v9;
	v27 =	vshll.u32 v21, $0x3;
	v17 =	vtrunc.f32 v17;
	[tilespmem:v4+s12+$0x0] =	vst.idx.add.f32.msk $0xffff, v2  }
0xc2: {  	v4 =	vcvt.f32.s32 v17;
	v17 =	vtrunc.f32 v20;
	[tilespmem:v3+s11+$0x0] =	vst.idx.add.f32.msk $0xffff, v2;
	v3 =	vshll.u32 v15, $0x3  }
0xc3: {  	v17 =	vcvt.f32.s32 v17;
	v19 =	vtrunc.f32 v19;
	[tilespmem:v5+s12+$0x0] =	vst.idx.add.f32.msk $0xffff, v2;
	v5 =	vshll.u32 v11, $0x3  }
0xc4: {  	v20 =	vshll.u32 v4, $0x3;
	v13 =	vtrunc.f32 v13;
	v19 =	vcvt.f32.s32 v19  }
0xc5: {  	v24 =	vtrunc.f32 v24;
	v13 =	vcvt.f32.s32 v13;
	v28 =	vshll.u32 v17, $0x3  }
0xc6: {  	s14 =	sadd.s32 $0x8, s14;
	v10 =	vcvt.f32.s32 v10;
	v7 =	vtrunc.f32 v7;
	v29 =	vshll.u32 v19, $0x3  }
0xc7: {  	p0 =	slt.u32 s14, $0x3E0;
	v24 =	vcvt.f32.s32 v24;
	v7 =	vcvt.f32.s32 v7;
	v30 =	vshll.u32 v13, $0x3  }
0xc8: {  	v31 =	vshll.u32 v9, $0x3;
	v32 =	vshll.u32 v10, $0x3;
	v33 =	vshll.u32 v12, $0x3  }
0xc9: {  	v28 =	vand.u32 $0xFFFFFC00, v28;
	v34 =	vshll.u32 v24, $0x3;
	v35 =	vshll.u32 v7, $0x3  }
0xca: {  	v17 =	vand.u32 $0x7F, v17;
	v19 =	vand.u32 $0x7F, v19;
	v29 =	vand.u32 $0xFFFFFC00, v29  }
0xcb: {  	v4 =	vand.u32 $0x7F, v4;
	v20 =	vand.u32 $0xFFFFFC00, v20;
	v30 =	vand.u32 $0xFFFFFC00, v30  }
0xcc: {  	v27 =	vand.u32 $0xFFFFFC00, v27;
	v3 =	vand.u32 $0xFFFFFC00, v3;
	v13 =	vand.u32 $0x7F, v13  }
0xcd: {  	v23 =	vand.u32 $0xFFFFFC00, v23;
	v21 =	vand.u32 $0x7F, v21;
	v15 =	vand.u32 $0x7F, v15  }
0xce: {  	v14 =	vand.u32 $0x7F, v14;
	v18 =	vand.u32 $0x7F, v18;
	v25 =	vand.u32 $0xFFFFFC00, v25  }
0xcf: {  	v6 =	vand.u32 $0x7F, v6;
	v26 =	vand.u32 $0xFFFFFC00, v26;
	v22 =	vand.u32 $0xFFFFFC00, v22  }
0xd0: {  	v33 =	vand.u32 $0xFFFFFC00, v33;
	v16 =	vand.u32 $0x7F, v16;
	v5 =	vand.u32 $0xFFFFFC00, v5  }
0xd1: {  	v12 =	vand.u32 $0x7F, v12;
	v31 =	vand.u32 $0xFFFFFC00, v31;
	v11 =	vand.u32 $0x7F, v11  }
0xd2: {  	v9 =	vand.u32 $0x7F, v9;
	v10 =	vand.u32 $0x7F, v10;
	v32 =	vand.u32 $0xFFFFFC00, v32  }
0xd3: {  	v24 =	vand.u32 $0x7F, v24;
	v34 =	vand.u32 $0xFFFFFC00, v34;
	v35 =	vand.u32 $0xFFFFFC00, v35  }
0xd4: {  	v17 =	vor.u32 v17, v28;
	v19 =	vor.u32 v19, v29;
	v7 =	vand.u32 $0x7F, v7  }
0xd5: {  	v21 =	vor.u32 v21, v27;
	v4 =	vor.u32 v4, v20;
	v13 =	vor.u32 v13, v30  }
0xd6: {  	v14 =	vor.u32 v14, v23;
	v18 =	vor.u32 v18, v25;
	v3 =	vor.u32 v15, v3  }
0xd7: {  	v6 =	vor.u32 v6, v22;
	v5 =	vor.u32 v11, v5;
	v11 =	vor.u32 v16, v26  }
0xd8: {  	v9 =	vor.u32 v9, v31;
	v10 =	vor.u32 v10, v32;
	v12 =	vor.u32 v12, v33  }
0xd9: {  	v17 =	vadd.s32 v1, v17;
	v15 =	vor.u32 v24, v34;
	v16 =	vor.u32 v7, v35  }
0xda: {  	v20 =	vadd.s32 v1, v4;
	v19 =	vadd.s32 v1, v19;
	v13 =	vadd.s32 v1, v13  }
0xdb: {  	v14 =	vadd.s32 v1, v14;
	v21 =	vadd.s32 v1, v21;
	v22 =	vadd.s32 v1, v3  }
0xdc: {  	v23 =	vadd.s32 v1, v6;
	v24 =	vadd.s32 v1, v11;
	v11 =	vadd.s32 v1, v18  }
0xdd: {  	v4 =	vadd.s32 $0x1, v8;
	v18 =	vadd.s32 v1, v5;
	v7 =	vadd.s32 v1, v12  }
0xde: {  	v6 =	vadd.s32 v1, v9;
	vm0 =	vgt.s32 v4, $0x3E7;
	v5 =	vadd.s32 $0xFFFFFC19, v8;
	[tilespmem:v17+s11+$0x0] =	vst.idx.add.f32.msk $0xffff, v2  }
0xdf: {  	v3 =	vadd.s32 v1, v15;
	v5 =	vsel vm0, v5, v4;
	v4 =	vadd.s32 v1, v10  }
0xe0: {  	v8 =	vand.u32 $0x7F, v5;
	v9 =	vshll.u32 v5, $0x3;
	v10 =	vadd.s32 $0x1, v5;
	[tilespmem:v19+s12+$0x0] =	vst.idx.add.f32.msk $0xffff, v2  }
0xe1: {  	v12 =	vadd.s32 $0xFFFFFC19, v5;
	v9 =	vand.u32 $0xFFFFFC00, v9;
	vm0 =	vgt.s32 v10, $0x3E7;
	[tilespmem:v20+s11+$0x0] =	vst.idx.add.f32.msk $0xffff, v2  }
0xe2: {  	v5 =	vadd.s32 v1, v16;
	v8 =	vor.u32 v8, v9;
	v9 =	vsel vm0, v12, v10  }
0xe3: {  	v10 =	vand.u32 $0x7F, v9;
	v12 =	vshll.u32 v9, $0x3;
	v15 =	vadd.s32 $0x1, v9;
	[tilespmem:v13+s12+$0x0] =	vst.idx.add.f32.msk $0xffff, v2  }
0xe4: {  	v9 =	vadd.s32 $0xFFFFFC19, v9;
	v12 =	vand.u32 $0xFFFFFC00, v12;
	vm0 =	vgt.s32 v15, $0x3E7;
	[tilespmem:v21+s11+$0x0] =	vst.idx.add.f32.msk $0xffff, v2  }
0xe5: {  	v8 =	vadd.s32 v1, v8;
	v10 =	vor.u32 v10, v12;
	v9 =	vsel vm0, v9, v15  }
0xe6: {  	v12 =	vand.u32 $0x7F, v9;
	v15 =	vadd.s32 $0x1, v9;
	v13 =	vshll.u32 v9, $0x3;
	[tilespmem:v22+s12+$0x0] =	vst.idx.add.f32.msk $0xffff, v2  }
0xe7: {  	vm0 =	vgt.s32 v15, $0x3E7;
	v9 =	vadd.s32 $0xFFFFFC19, v9;
	v13 =	vand.u32 $0xFFFFFC00, v13;
	[tilespmem:v14+s11+$0x0] =	vst.idx.add.f32.msk $0xffff, v2  }
0xe8: {  	v12 =	vor.u32 v12, v13;
	v14 =	vadd.s32 v1, v10;
	v10 =	vsel vm0, v9, v15  }
0xe9: {  	v13 =	vand.u32 $0x7F, v10;
	v15 =	vshll.u32 v10, $0x3;
	v16 =	vadd.s32 $0x1, v10;
	[tilespmem:v11+s12+$0x0] =	vst.idx.add.f32.msk $0xffff, v2  }
0xea: {  	v11 =	vand.u32 $0xFFFFFC00, v15;
	vm0 =	vgt.s32 v16, $0x3E7;
	v15 =	vadd.s32 $0xFFFFFC19, v10;
	v9 =	vld.idx.msk [tilespmem:v8+s1+$0x0], $0xffff  }
0xeb: {  	v13 =	vor.u32 v13, v11;
	v10 =	vld.idx.msk [tilespmem:v8+s8+$0x0], $0xffff;
	v8 =	vadd.s32 v1, v12;
	v12 =	vsel vm0, v15, v16  }
0xec: {  	v15 =	vand.u32 $0x7F, v12;
	v16 =	vshll.u32 v12, $0x3;
	v17 =	vadd.s32 $0x1, v12;
	[tilespmem:v23+s11+$0x0] =	vst.idx.add.f32.msk $0xffff, v2  }
0xed: {  	v19 =	vadd.s32 $0xFFFFFC19, v12;
	v11 =	vld.idx.msk [tilespmem:v14+s1+$0x0], $0xffff;
	v16 =	vand.u32 $0xFFFFFC00, v16;
	vm0 =	vgt.s32 v17, $0x3E7  }
0xee: {  	v13 =	vadd.s32 v1, v13;
	v12 =	vld.idx.msk [tilespmem:v14+s8+$0x0], $0xffff;
	v15 =	vor.u32 v15, v16;
	v16 =	vsel vm0, v19, v17  }
0xef: {  	v17 =	vand.u32 $0x7F, v16;
	v19 =	vshll.u32 v16, $0x3;
	v20 =	vadd.s32 $0x1, v16;
	[tilespmem:v24+s12+$0x0] =	vst.idx.add.f32.msk $0xffff, v2  }
.Ltmp1:
0xf0: {  	v21 =	vadd.s32 $0xFFFFFC19, v16;
	v14 =	vld.idx.msk [tilespmem:v8+s1+$0x0], $0xffff;
	v19 =	vand.u32 $0xFFFFFC00, v19;
	vm0 =	vgt.s32 v20, $0x3E7;
	(pc) =	sbr.rel @p0 .LBB2_4-.Ltmp1, $4  }
0xf1: {  	v15 =	vadd.s32 v1, v15;
	v16 =	vld.idx.msk [tilespmem:v8+s8+$0x0], $0xffff;
	v8 =	vor.u32 v17, v19;
	v19 =	vsel vm0, v21, v20  }
0xf2: {  	v20 =	vand.u32 $0x7F, v19;
	v21 =	vshll.u32 v19, $0x3;
	v22 =	vadd.s32 $0x1, v19;
	[tilespmem:v18+s11+$0x0] =	vst.idx.add.f32.msk $0xffff, v2  }
0xf3: {  	v23 =	vadd.s32 $0xFFFFFC19, v19;
	v17 =	vld.idx.msk [tilespmem:v13+s1+$0x0], $0xffff;
	v21 =	vand.u32 $0xFFFFFC00, v21;
	vm0 =	vgt.s32 v22, $0x3E7  }
0xf4: {  	v18 =	vld.idx.msk [tilespmem:v13+s8+$0x0], $0xffff;
	v13 =	vadd.s32 v1, v8;
	v19 =	vor.u32 v20, v21;
	v8 =	vsel vm0, v23, v22  }
0xf5: {  	v11 =	vtrunc.f32 v11  }
0xf6: {  	v14 =	vtrunc.f32 v14;
	v12 =	vtrunc.f32 v12  }
0xf7: {  	v9 =	vtrunc.f32 v9;
	v10 =	vtrunc.f32 v10  }
0xf8: {  	v16 =	vtrunc.f32 v16;
	v14 =	vcvt.f32.s32 v14  }
0xf9: {  	v11 =	vcvt.f32.s32 v11;
	v12 =	vcvt.f32.s32 v12  }
0xfa: {  	v8 =	vadd.s32 v1, v19;
	v9 =	vcvt.f32.s32 v9;
	v10 =	vcvt.f32.s32 v10  }
0xfb: {  	v46 =	vld.idx.msk [tilespmem:v15+s1+$0x0], $0xffff;
	v16 =	vcvt.f32.s32 v16;
	v17 =	vtrunc.f32 v17;
	v22 =	vshll.u32 v14, $0x3  }
0xfc: {  	v47 =	vld.idx.msk [tilespmem:v15+s8+$0x0], $0xffff;
	v28 =	vshll.u32 v11, $0x3;
	v49 =	vshll.u32 v9, $0x3;
	v50 =	vshll.u32 v10, $0x3  }
0xfd: {  	v20 =	vld.idx.msk [tilespmem:v13+s1+$0x0], $0xffff;
	v51 =	vshll.u32 v12, $0x3;
	v54 =	vand.u32 $0x7F, v14;
	v59 =	vand.u32 $0x7F, v11  }
0xfe: {  	v48 =	vld.idx.msk [tilespmem:v13+s8+$0x0], $0xffff;
	v60 =	vand.u32 $0x7F, v12;
	v9 =	vand.u32 $0x7F, v9;
	v61 =	vand.u32 $0x7F, v10  }
0xff: {  	v17 =	vcvt.f32.s32 v17;
	v18 =	vtrunc.f32 v18;
	v25 =	vshll.u32 v16, $0x3  }
0x100: {  	[tilespmem:v3+s11+$0x0] =	vst.idx.add.f32.msk $0xffff, v2;
	v55 =	vand.u32 $0xFFFFFC00, v22;
	v3 =	vand.u32 $0xFFFFFC00, v28;
	v57 =	vand.u32 $0xFFFFFC00, v51  }
0x101: {  	v16 =	vand.u32 $0x7F, v16;
	v18 =	vcvt.f32.s32 v18;
	v19 =	vtrunc.f32 v46  }
0x102: {  	[tilespmem:v6+s11+$0x0] =	vst.idx.add.f32.msk $0xffff, v2;
	v58 =	vand.u32 $0xFFFFFC00, v49;
	v15 =	vtrunc.f32 v47;
	v20 =	vtrunc.f32 v20  }
0x103: {  	[tilespmem:v5+s12+$0x0] =	vst.idx.add.f32.msk $0xffff, v2;
	v13 =	vtrunc.f32 v48;
	v56 =	vand.u32 $0xFFFFFC00, v25;
	v6 =	vor.u32 v54, v55  }
0x104: {  	v3 =	vor.u32 v59, v3;
	v5 =	vor.u32 v60, v57;
	v9 =	vor.u32 v9, v58  }
0x105: {  	[tilespmem:v4+s12+$0x0] =	vst.idx.add.f32.msk $0xffff, v2;
	v19 =	vcvt.f32.s32 v19;
	v23 =	vshll.u32 v17, $0x3;
	v15 =	vcvt.f32.s32 v15  }
0x106: {  	v21 =	vld.idx.msk [tilespmem:v8+s1+$0x0], $0xffff;
	v20 =	vcvt.f32.s32 v20;
	v13 =	vcvt.f32.s32 v13;
	v17 =	vand.u32 $0x7F, v17  }
0x107: {  	v8 =	vld.idx.msk [tilespmem:v8+s8+$0x0], $0xffff;
	v4 =	vor.u32 v16, v56;
	v6 =	vadd.s32 v1, v6;
	v3 =	vadd.s32 v1, v3  }
0x108: {  	v5 =	vadd.s32 v1, v5;
	v9 =	vadd.s32 v1, v9;
	v24 =	vshll.u32 v18, $0x3  }
0x109: {  	v23 =	vand.u32 $0xFFFFFC00, v23;
	v52 =	vand.u32 $0x7F, v18;
	v4 =	vadd.s32 v1, v4  }
0x10a: {  	v26 =	vshll.u32 v19, $0x3;
	v27 =	vshll.u32 v15, $0x3;
	v29 =	vshll.u32 v20, $0x3  }
0x10b: {  	v32 =	vshll.u32 v13, $0x3;
	v20 =	vand.u32 $0x7F, v20;
	v21 =	vtrunc.f32 v21  }
0x10c: {  	v13 =	vand.u32 $0x7F, v13;
	v8 =	vtrunc.f32 v8;
	v21 =	vcvt.f32.s32 v21  }
0x10d: {  	v19 =	vand.u32 $0x7F, v19;
	v17 =	vor.u32 v17, v23;
	v8 =	vcvt.f32.s32 v8  }
0x10e: {  	v15 =	vand.u32 $0x7F, v15;
	v17 =	vadd.s32 v1, v17;
	v30 =	vshll.u32 v21, $0x3  }
0x10f: {  	[tilespmem:v7+s12+$0x0] =	vst.idx.add.f32.msk $0xffff, v2;
	v31 =	vshll.u32 v8, $0x3;
	v21 =	vand.u32 $0x7F, v21;
	v30 =	vand.u32 $0xFFFFFC00, v30  }
0x110: {  	[tilespmem:v6+s11+$0x0] =	vst.idx.add.f32.msk $0xffff, v2;
	v8 =	vand.u32 $0x7F, v8;
	v31 =	vand.u32 $0xFFFFFC00, v31;
	v21 =	vor.u32 v21, v30  }
0x111: {  	v53 =	vand.u32 $0xFFFFFC00, v24;
	[tilespmem:v3+s11+$0x0] =	vst.idx.add.f32.msk $0xffff, v2;
	v8 =	vor.u32 v8, v31;
	v21 =	vadd.s32 v1, v21  }
0x112: {  	v29 =	vand.u32 $0xFFFFFC00, v29;
	v7 =	vor.u32 v52, v53;
	[tilespmem:v9+s11+$0x0] =	vst.idx.add.f32.msk $0xffff, v2;
	v8 =	vadd.s32 v1, v8  }
0x113: {  	v26 =	vand.u32 $0xFFFFFC00, v26;
	v20 =	vor.u32 v20, v29;
	v7 =	vadd.s32 v1, v7;
	[tilespmem:v4+s12+$0x0] =	vst.idx.add.f32.msk $0xffff, v2  }
0x114: {  	v32 =	vand.u32 $0xFFFFFC00, v32;
	v19 =	vor.u32 v19, v26;
	v20 =	vadd.s32 v1, v20;
	[tilespmem:v5+s12+$0x0] =	vst.idx.add.f32.msk $0xffff, v2  }
0x115: {  	v27 =	vand.u32 $0xFFFFFC00, v27;
	v13 =	vor.u32 v13, v32;
	v19 =	vadd.s32 v1, v19;
	[tilespmem:v17+s11+$0x0] =	vst.idx.add.f32.msk $0xffff, v2  }
0x116: {  	v62 =	vand.u32 $0xFFFFFC00, v50;
	v15 =	vor.u32 v15, v27;
	v13 =	vadd.s32 v1, v13;
	[tilespmem:v21+s11+$0x0] =	vst.idx.add.f32.msk $0xffff, v2  }
0x117: {  	v15 =	vadd.s32 v1, v15;
	[tilespmem:v8+s12+$0x0] =	vst.idx.add.f32.msk $0xffff, v2;
	v8 =	vor.u32 v61, v62  }
0x118: {  	[tilespmem:v7+s12+$0x0] =	vst.idx.add.f32.msk $0xffff, v2;
	v63 =	vadd.s32 v1, v8  }
0x119: {  	[tilespmem:v20+s11+$0x0] =	vst.idx.add.f32.msk $0xffff, v2  }
0x11a: {  	[tilespmem:v19+s11+$0x0] =	vst.idx.add.f32.msk $0xffff, v2  }
0x11b: {  	[tilespmem:v13+s12+$0x0] =	vst.idx.add.f32.msk $0xffff, v2  }
0x11c: {  	[tilespmem:v15+s12+$0x0] =	vst.idx.add.f32.msk $0xffff, v2  }
0x11d: {  	[tilespmem:v63+s12+$0x0] =	vst.idx.add.f32.msk $0xffff, v2  }
0x11e: {  	[hbm4b:s5+s1] =	stream.linear.scatter [tilespmem:s11], [sflag:$0x1], $0x4000, $0x38;
	[tilespmem:$0x10000] =	vst v63  }
0x11f: {  	s13 =	sadd.s32 $0x1, s13  }
0x120: {  	[hbm4b:s6+s1] =	stream.linear.scatter [tilespmem:s12], [sflag:$0x2], $0x4000, $0x38;
	[tilespmem:$0x10000] =	vst v63  }
0x121: {  	p0 =	sne.s32 s13, s7;
	_ =	swait.ge [sflag:s9], $0x4000  }
.Ltmp2:
0x122: {  	[sflag:s9] =	ssyncset.done $0x0;
	(pc) =	sbr.rel @p0 .LBB2_1-.Ltmp2, $4  }
0x123: {  	[sflag:s9] =	ssyncadd.s32 $0xFFFFC000  }
0x124: {  	_ =	swait.ge [sflag:s10], $0x4000  }
0x125: {  	[sflag:s10] =	ssyncset.done $0x0  }
0x126: {  	[sflag:s10] =	ssyncadd.s32 $0xFFFFC000  }
0x127: {  	_ =	sfence.sel $0x180000  }
0x128: {  	[bflag:$0x0] =	sbarrier.arrive $0xFFFF  }
0x129: {  	p0 =	sne.s32 s2, $0x0;
	_ =	strace $0x90000047  }
0x12a: {  	s0 =	sadd.s32 @!p0 $0x100000, s0;
	[bflag:$0x2] =	sbarrier.arrive $0xFFFF  }
0x12b: {  	[sflag:s0] =	ssyncadd.tile.s32 @!p0 $0x1;
	_ =	shalt  }
.Lfunc_end2:
_tile_overlayer_lowered:
.L_overlay_start_2:
0x12c: {  	(tag) =	ssettag $0x2  }
0x12d: {  	s0 =	rddreg [dreg:$0x0];
	s2 =	stileid.u32  }
0x12e: {  	s1 =	rddreg [dreg:$0x1];
	p0 =	sne.s32 s2, $0x0  }
0x12f: {  	s3 =	rddreg [dreg:$0x2];
	[bflag:$0x3] =	sbarrier.arrive $0xFFFF;
	s2 =	simm.s32 @!p0 $0x1C03  }
0x130: {  	[timem:s3], [sflag:s2] =	dma.local @!p0 [hbm:s0], s1  }
0x131: {  	s0 =	simm.s32 @!p0 $0x3  }
0x132: {  	_ =	swait.ge @!p0 [sflag:s0], s1  }
0x133: {  	s1 =	ssub.s32 @!p0 $0x0, s1;
	[sflag:s0] =	ssyncset.done @!p0 $0x0  }
0x134: {  	[sflag:s0] =	ssyncadd.s32 @!p0 s1  }
0x135: {  	[bflag:$0x3] =	sbarrier.arrive $0xFFFF  }
0x136: {  	_ =	shalt  }

</sc_bundles>
